<compile_context>
chip_gen: v7x
topology: tpu7x:2x2x1
jax: 0.10.2.dev20260603
libtpu: 0.0.44.dev20260713+nightly
codegen_flags: <defaults>
</compile_context>

<pallas_src>
import functools

import jax
import jax.numpy as jnp
from jax import lax
from jax.experimental import pallas as pl
from jax.experimental.pallas import tpu as pltpu
from jax.experimental.pallas import tpu_sc as plsc

VOCAB = 30522
HID = 768
PVOCAB = 100
PLEN = 20
B = 32
S = 512
EPS = 1e-12

NW = 32
NCHB = 1
CB = B // NCHB
WPB = NW // CB
ROWS_PER_W = CB * S // NW
CHUNK = 64
NCHUNK = ROWS_PER_W // CHUNK
PPAD = 24


def _sc_gather_chunk(word_emb, prompt_emb, wids_c, pids_c):
    mesh = plsc.VectorSubcoreMesh(core_axis_name="c", subcore_axis_name="s")

    @functools.partial(
        pl.kernel,
        out_type=(
            jax.ShapeDtypeStruct((CB * S, HID), jnp.float32),
            jax.ShapeDtypeStruct((CB * PPAD, HID), jnp.float32),
        ),
        mesh=mesh,
        scratch_types=[
            pltpu.VMEM((ROWS_PER_W,), jnp.int32),
            pltpu.VMEM((2, CHUNK, HID), jnp.float32),
            pltpu.VMEM((PPAD,), jnp.int32),
            pltpu.VMEM((PPAD, HID), jnp.float32),
            pltpu.SemaphoreType.DMA,
            pltpu.SemaphoreType.DMA,
            pltpu.SemaphoreType.DMA,
        ],
    )
    def k(word_hbm, pemb_hbm, wids_hbm, pids_hbm, out_hbm, pout_hbm,
          idx_v, rows_v, pidx_v, prows_v, sem0, sem1, psem):
        sems = (sem0, sem1)
        w = lax.axis_index("s") * 2 + lax.axis_index("c")
        base = w * ROWS_PER_W
        pltpu.sync_copy(wids_hbm.at[pl.ds(base, ROWS_PER_W)], idx_v)
        pbase = (w // WPB) * PPAD
        pltpu.sync_copy(pids_hbm.at[pl.ds(pbase, PPAD)], pidx_v)
        pc = pltpu.make_async_copy(pemb_hbm.at[pidx_v], prows_v, psem)
        pc.start()

        copies = [None, None]
        copies[0] = pltpu.make_async_copy(
            word_hbm.at[idx_v.at[pl.ds(0, CHUNK)]], rows_v.at[0], sems[0])
        copies[0].start()
        for c in range(NCHUNK):
            buf = c % 2
            if c + 1 < NCHUNK:
                nbuf = (c + 1) % 2
                copies[nbuf] = pltpu.make_async_copy(
                    word_hbm.at[idx_v.at[pl.ds((c + 1) * CHUNK, CHUNK)]],
                    rows_v.at[nbuf], sems[nbuf])
                copies[nbuf].start()
            copies[buf].wait()
            pltpu.sync_copy(rows_v.at[buf],
                            out_hbm.at[pl.ds(base + c * CHUNK, CHUNK)])

        pc.wait()
        pltpu.sync_copy(prows_v, pout_hbm.at[pl.ds(pbase, PPAD)])

    return k(word_emb, prompt_emb, wids_c, pids_c)


def _tc_ln_body_first(g_ref, pg_ref, pos_ref, type_ref, gamma_ref, beta_ref,
                      o_ref):
    g = g_ref[...]
    pg = jnp.pad(pg_ref[...][:PLEN], ((1, g.shape[0] - PLEN - 1), (0, 0)))
    row = lax.broadcasted_iota(jnp.int32, (g.shape[0], 1), 0)
    mask = (row >= 1) & (row <= PLEN)
    x = jnp.where(mask, pg, g) + pos_ref[...] + type_ref[...]
    mu = jnp.mean(x, axis=-1, keepdims=True)
    d = x - mu
    var = jnp.mean(d * d, axis=-1, keepdims=True)
    o_ref[...] = d * lax.rsqrt(var + EPS) * gamma_ref[...] + beta_ref[...]


def _tc_ln_chunk(cidx, g_c, pg_c, pos_emb, type_row, gamma, beta):
    grid = (CB,)
    data_specs = [
        pl.BlockSpec((S, HID), lambda b: (b, 0)),
        pl.BlockSpec((PPAD, HID), lambda b: (b, 0)),
        pl.BlockSpec((S, HID), lambda b: (0, 0)),
        pl.BlockSpec((1, HID), lambda b: (0, 0)),
        pl.BlockSpec((1, HID), lambda b: (0, 0)),
        pl.BlockSpec((1, HID), lambda b: (0, 0)),
    ]
    out_spec = pl.BlockSpec((S, HID), lambda b: (cidx * CB + b, 0))
    out_shape = jax.ShapeDtypeStruct((B * S, HID), jnp.float32)
    return pl.pallas_call(
        _tc_ln_body_first,
        grid=grid,
        in_specs=data_specs,
        out_specs=out_spec,
        out_shape=out_shape,
    )(g_c, pg_c, pos_emb, type_row, gamma, beta)


def kernel(input_ids, prompt_ids, word_emb, prompt_emb, token_type_emb,
           pos_emb, ln_gamma, ln_beta):
    wids = input_ids.reshape(-1)
    pids = jnp.pad(prompt_ids, ((0, 0), (0, PPAD - PLEN)))
    type_row = token_type_emb[:1]
    gamma = ln_gamma.reshape(1, HID)
    beta = ln_beta.reshape(1, HID)
    out = None
    for c in range(NCHB):
        g_c, pg_c = _sc_gather_chunk(
            word_emb, prompt_emb,
            lax.slice(wids, (c * CB * S,), ((c + 1) * CB * S,)),
            pids[c * CB:(c + 1) * CB].reshape(-1))
        out = _tc_ln_chunk(c, g_c, pg_c, pos_emb, type_row, gamma, beta)
    return out.reshape(B, S, HID)

# --- scband reference (transcript-rebuilt; emitter-appended) ---
"""Pipeline reference for scband-bert-embeddings-with-prompt-85521388798216 (READ-ONLY COPY).

The authoritative reference and input builder live on the scoring server;
editing this copy changes nothing except your own understanding.
"""

import jax, jax.numpy as jnp
import numpy as np

VOCAB = 30522
HID = 768
PVOCAB = 100
PLEN = 20
TYPES = 2
MAXPOS = 512
B = 32
S = 512
EPS = 1e-12


def setup_inputs(seed: int = 0) -> dict:
    key = jax.random.key(seed)
    ks = jax.random.split(key, 8)
    return {
        "input_ids": jax.random.randint(ks[0], (B, S), 0, VOCAB, dtype=jnp.int32),
        "prompt_ids": jax.random.randint(ks[1], (B, PLEN), 0, PVOCAB, dtype=jnp.int32),
        "word_emb": jax.random.normal(ks[2], (VOCAB, HID), dtype=jnp.float32) * 0.02,
        "prompt_emb": jax.random.normal(ks[3], (PVOCAB, HID), dtype=jnp.float32) * 0.02,
        "token_type_emb": jax.random.normal(ks[4], (TYPES, HID), dtype=jnp.float32) * 0.02,
        "pos_emb": jax.random.normal(ks[5], (MAXPOS, HID), dtype=jnp.float32) * 0.02,
        "ln_gamma": jnp.ones((HID,), dtype=jnp.float32),
        "ln_beta": jnp.zeros((HID,), dtype=jnp.float32),
    }


def reference(input_ids, prompt_ids, word_emb, prompt_emb, token_type_emb, pos_emb, ln_gamma, ln_beta):
    # word + prompt embedding lookups
    inputs_embeds = jnp.take(word_emb, input_ids, axis=0)            # [B, S, H]
    prompts_embeds = jnp.take(prompt_emb, prompt_ids, axis=0)        # [B, PLEN, H]
    # splice prompt embeddings after the first ([CLS]) token
    inputs_embeds = jnp.concatenate(
        [inputs_embeds[:, :1, :], prompts_embeds, inputs_embeds[:, 1 + PLEN:, :]],
        axis=1,
    )                                                                # [B, S, H]
    # default token_type_ids = zeros
    token_type_ids = jnp.zeros((B, S), dtype=jnp.int32)
    token_type_embeddings = jnp.take(token_type_emb, token_type_ids, axis=0)
    embeddings = inputs_embeds + token_type_embeddings
    # absolute position embeddings (past_key_values_length = 0)
    position_ids = jnp.arange(S, dtype=jnp.int32)
    position_embeddings = jnp.take(pos_emb, position_ids, axis=0)[None, :, :]
    embeddings = embeddings + position_embeddings
    # LayerNorm over hidden dim
    mu = jnp.mean(embeddings, axis=-1, keepdims=True)
    var = jnp.mean((embeddings - mu) ** 2, axis=-1, keepdims=True)
    out = (embeddings - mu) / jnp.sqrt(var + EPS) * ln_gamma + ln_beta
    # dropout is identity in eval mode
    return out

if __name__ == "__main__":
    import jax
    _d = setup_inputs()
    print(jax.jit(kernel)(*tuple(_d.values())))

</pallas_src>

<mosaic_0001>
#map = affine_map<(d0, d1) -> (0, 0)>
#map1 = affine_map<(d0, d1) -> (0)>
module attributes {stable_mosaic.version = 14 : i64} {
  func.func @k(%arg0: i32, %arg1: i32, %arg2: memref<30522x768xf32, #tpu.memory_space<hbm>>, %arg3: memref<100x768xf32, #tpu.memory_space<hbm>>, %arg4: memref<16384xi32, #tpu.memory_space<hbm>>, %arg5: memref<768xi32, #tpu.memory_space<hbm>>, %arg6: memref<16384x768xf32, #tpu.memory_space<hbm>>, %arg7: memref<768x768xf32, #tpu.memory_space<hbm>>, %arg8: memref<512xi32, #tpu.memory_space<vmem>>, %arg9: memref<2x64x768xf32, #tpu.memory_space<vmem>>, %arg10: memref<24xi32, #tpu.memory_space<vmem>>, %arg11: memref<24x768xf32, #tpu.memory_space<vmem>>, %arg12: memref<!tpu.dma_semaphore, #tpu.memory_space<semaphore_mem>>, %arg13: memref<!tpu.dma_semaphore, #tpu.memory_space<semaphore_mem>>, %arg14: memref<!tpu.dma_semaphore, #tpu.memory_space<semaphore_mem>>) attributes {dimension_semantics = [#tpu.dimension_semantics<core_parallel>, #tpu.dimension_semantics<subcore_parallel>], iteration_bounds = array<i64: 2, 16>, scalar_prefetch = 0 : i64, scratch_operands = 7 : i64, tpu.core_type = #tpu.core_type<sc_vector_subcore>, window_params = [{transform_indices = #map}, {transform_indices = #map}, {transform_indices = #map1}, {transform_indices = #map1}, {transform_indices = #map}, {transform_indices = #map}]} {
    %mul3A = arith.constant 2 : i32
    %mul3A_0 = arith.muli %arg1, %mul3A : i32
    %add3A = arith.addi %mul3A_0, %arg0 : i32
    %mul3A_1 = arith.constant 512 : i32
    %mul3A_2 = arith.muli %add3A, %mul3A_1 : i32
    "tpu.region"() ({
      %run_scoped3A_208 = tpu.sem_alloc : memref<!tpu.dma_semaphore, #tpu.memory_space<semaphore_mem>>
      %dma_start3A_209 = tpu.memref_slice %arg4[%mul3A_2] : memref<16384xi32, #tpu.memory_space<hbm>> -> memref<512xi32, #tpu.memory_space<hbm>>
      %dma_start3A_210 = tpu.memref_slice %arg4[%mul3A_2] : memref<16384xi32, #tpu.memory_space<hbm>> -> memref<512xi32, #tpu.memory_space<hbm>>
      tpu.enqueue_dma source(%dma_start3A_210 : memref<512xi32, #tpu.memory_space<hbm>>) target(%arg8 : memref<512xi32, #tpu.memory_space<vmem>>) target_semaphore(%run_scoped3A_208 : memref<!tpu.dma_semaphore, #tpu.memory_space<semaphore_mem>>)
      %dma_wait3A_211 = tpu.memref_slice %arg4[%mul3A_2] : memref<16384xi32, #tpu.memory_space<hbm>> -> memref<512xi32, #tpu.memory_space<hbm>>
      %dma_wait3A_212 = tpu.memref_slice %arg4[%mul3A_2] : memref<16384xi32, #tpu.memory_space<hbm>> -> memref<512xi32, #tpu.memory_space<hbm>>
      tpu.wait_dma2 semaphore(%run_scoped3A_208 : memref<!tpu.dma_semaphore, #tpu.memory_space<semaphore_mem>>) src(%dma_wait3A_212 : memref<512xi32, #tpu.memory_space<hbm>>) dst(%arg8 : memref<512xi32, #tpu.memory_space<vmem>>)
      tpu.yield
    }) : () -> ()
    %jit3A = arith.constant 1 : i32
    %div3A = arith.divsi %add3A, %jit3A : i32
    %sign3A = arith.constant 0 : i32
    %sign3A_3 = arith.cmpi sgt, %add3A, %sign3A : i32
    %sign3A_4 = arith.extui %sign3A_3 : i1 to i32
    %sign3A_5 = arith.constant 0 : i32
    %sign3A_6 = arith.cmpi slt, %add3A, %sign3A_5 : i32
    %sign3A_7 = arith.extui %sign3A_6 : i1 to i32
    %sign3A_8 = arith.subi %sign3A_4, %sign3A_7 : i32
    %sign3A_9 = arith.constant 0 : i32
    %sign3A_10 = arith.cmpi sgt, %jit3A, %sign3A_9 : i32
    %sign3A_11 = arith.extui %sign3A_10 : i1 to i32
    %sign3A_12 = arith.constant 0 : i32
    %sign3A_13 = arith.cmpi slt, %jit3A, %sign3A_12 : i32
    %sign3A_14 = arith.extui %sign3A_13 : i1 to i32
    %sign3A_15 = arith.subi %sign3A_11, %sign3A_14 : i32
    %ne3A = arith.cmpi ne, %sign3A_8, %sign3A_15 : i32
    %rem3A = arith.remsi %add3A, %jit3A : i32
    %ne3A_16 = arith.constant 0 : i32
    %ne3A_17 = arith.cmpi ne, %rem3A, %ne3A_16 : i32
    %and3A = arith.andi %ne3A, %ne3A_17 : i1
    %sub3A = arith.constant 1 : i32
    %sub3A_18 = arith.subi %div3A, %sub3A : i32
    %select_n3A = arith.select %and3A, %sub3A_18, %div3A : i32
    %mul3A_19 = arith.constant 24 : i32
    %mul3A_20 = arith.muli %select_n3A, %mul3A_19 : i32
    "tpu.region"() ({
      %run_scoped3A_208 = tpu.sem_alloc : memref<!tpu.dma_semaphore, #tpu.memory_space<semaphore_mem>>
      %dma_start3A_209 = tpu.memref_slice %arg5[%mul3A_20] : memref<768xi32, #tpu.memory_space<hbm>> -> memref<24xi32, #tpu.memory_space<hbm>>
      %dma_start3A_210 = tpu.memref_slice %arg5[%mul3A_20] : memref<768xi32, #tpu.memory_space<hbm>> -> memref<24xi32, #tpu.memory_space<hbm>>
      tpu.enqueue_dma source(%dma_start3A_210 : memref<24xi32, #tpu.memory_space<hbm>>) target(%arg10 : memref<24xi32, #tpu.memory_space<vmem>>) target_semaphore(%run_scoped3A_208 : memref<!tpu.dma_semaphore, #tpu.memory_space<semaphore_mem>>)
      %dma_wait3A_211 = tpu.memref_slice %arg5[%mul3A_20] : memref<768xi32, #tpu.memory_space<hbm>> -> memref<24xi32, #tpu.memory_space<hbm>>
      %dma_wait3A_212 = tpu.memref_slice %arg5[%mul3A_20] : memref<768xi32, #tpu.memory_space<hbm>> -> memref<24xi32, #tpu.memory_space<hbm>>
      tpu.wait_dma2 semaphore(%run_scoped3A_208 : memref<!tpu.dma_semaphore, #tpu.memory_space<semaphore_mem>>) src(%dma_wait3A_212 : memref<24xi32, #tpu.memory_space<hbm>>) dst(%arg10 : memref<24xi32, #tpu.memory_space<vmem>>)
      tpu.yield
    }) : () -> ()
    %dma_start3A = arith.constant 0 : i32
    %dma_start3A_21 = arith.constant 0 : i32
    %dma_start3A_22 = tpu.memref_slice %arg3[%dma_start3A, %dma_start3A_21] : memref<100x768xf32, #tpu.memory_space<hbm>> -> memref<100x768xf32, #tpu.memory_space<hbm>>
    tpu.enqueue_indirect_dma source(%dma_start3A_22 : memref<100x768xf32, #tpu.memory_space<hbm>>) target(%arg11 : memref<24x768xf32, #tpu.memory_space<vmem>>) offsets(%arg10 : memref<24xi32, #tpu.memory_space<vmem>>) semaphore(%arg14 : memref<!tpu.dma_semaphore, #tpu.memory_space<semaphore_mem>>)
    %dma_start3A_23 = arith.constant 0 : i32
    %dma_start3A_24 = arith.constant 0 : i32
    %dma_start3A_25 = arith.constant 0 : i32
    %dma_start3A_26 = tpu.memref_slice %arg9[%dma_start3A_23, %dma_start3A_24, %dma_start3A_25] : memref<2x64x768xf32, #tpu.memory_space<vmem>> -> memref<1x64x768xf32, #tpu.memory_space<vmem>>
    %dma_start3A_27 = tpu.memref_squeeze %dma_start3A_26 : memref<1x64x768xf32, #tpu.memory_space<vmem>> -> memref<64x768xf32, #tpu.memory_space<vmem>>
    %dma_start3A_28 = arith.constant 0 : i32
    %dma_start3A_29 = tpu.memref_slice %arg8[%dma_start3A_28] : memref<512xi32, #tpu.memory_space<vmem>> -> memref<64xi32, #tpu.memory_space<vmem>>
    %dma_start3A_30 = arith.constant 0 : i32
    %dma_start3A_31 = arith.constant 0 : i32
    %dma_start3A_32 = tpu.memref_slice %arg2[%dma_start3A_30, %dma_start3A_31] : memref<30522x768xf32, #tpu.memory_space<hbm>> -> memref<30522x768xf32, #tpu.memory_space<hbm>>
    tpu.enqueue_indirect_dma source(%dma_start3A_32 : memref<30522x768xf32, #tpu.memory_space<hbm>>) target(%dma_start3A_27 : memref<64x768xf32, #tpu.memory_space<vmem>>) offsets(%dma_start3A_29 : memref<64xi32, #tpu.memory_space<vmem>>) semaphore(%arg12 : memref<!tpu.dma_semaphore, #tpu.memory_space<semaphore_mem>>)
    %dma_start3A_33 = arith.constant 1 : i32
    %dma_start3A_34 = arith.constant 0 : i32
    %dma_start3A_35 = arith.constant 0 : i32
    %dma_start3A_36 = tpu.memref_slice %arg9[%dma_start3A_33, %dma_start3A_34, %dma_start3A_35] : memref<2x64x768xf32, #tpu.memory_space<vmem>> -> memref<1x64x768xf32, #tpu.memory_space<vmem>>
    %dma_start3A_37 = tpu.memref_squeeze %dma_start3A_36 : memref<1x64x768xf32, #tpu.memory_space<vmem>> -> memref<64x768xf32, #tpu.memory_space<vmem>>
    %dma_start3A_38 = arith.constant 64 : i32
    %dma_start3A_39 = tpu.memref_slice %arg8[%dma_start3A_38] : memref<512xi32, #tpu.memory_space<vmem>> -> memref<64xi32, #tpu.memory_space<vmem>>
    %dma_start3A_40 = arith.constant 0 : i32
    %dma_start3A_41 = arith.constant 0 : i32
    %dma_start3A_42 = tpu.memref_slice %arg2[%dma_start3A_40, %dma_start3A_41] : memref<30522x768xf32, #tpu.memory_space<hbm>> -> memref<30522x768xf32, #tpu.memory_space<hbm>>
    tpu.enqueue_indirect_dma source(%dma_start3A_42 : memref<30522x768xf32, #tpu.memory_space<hbm>>) target(%dma_start3A_37 : memref<64x768xf32, #tpu.memory_space<vmem>>) offsets(%dma_start3A_39 : memref<64xi32, #tpu.memory_space<vmem>>) semaphore(%arg13 : memref<!tpu.dma_semaphore, #tpu.memory_space<semaphore_mem>>)
    %dma_wait3A = arith.constant 0 : i32
    %dma_wait3A_43 = arith.constant 0 : i32
    %dma_wait3A_44 = arith.constant 0 : i32
    %dma_wait3A_45 = tpu.memref_slice %arg9[%dma_wait3A, %dma_wait3A_43, %dma_wait3A_44] : memref<2x64x768xf32, #tpu.memory_space<vmem>> -> memref<1x64x768xf32, #tpu.memory_space<vmem>>
    %dma_wait3A_46 = tpu.memref_squeeze %dma_wait3A_45 : memref<1x64x768xf32, #tpu.memory_space<vmem>> -> memref<64x768xf32, #tpu.memory_space<vmem>>
    %dma_wait3A_47 = arith.constant 0 : i32
    %dma_wait3A_48 = tpu.memref_slice %arg8[%dma_wait3A_47] : memref<512xi32, #tpu.memory_space<vmem>> -> memref<64xi32, #tpu.memory_space<vmem>>
    %dma_wait3A_49 = arith.constant 0 : i32
    %dma_wait3A_50 = arith.constant 0 : i32
    %dma_wait3A_51 = tpu.memref_slice %arg2[%dma_wait3A_49, %dma_wait3A_50] : memref<30522x768xf32, #tpu.memory_space<hbm>> -> memref<30522x768xf32, #tpu.memory_space<hbm>>
    tpu.wait_indirect_dma semaphore(%arg12 : memref<!tpu.dma_semaphore, #tpu.memory_space<semaphore_mem>>) src(%dma_wait3A_51 : memref<30522x768xf32, #tpu.memory_space<hbm>>) dst(%dma_wait3A_46 : memref<64x768xf32, #tpu.memory_space<vmem>>)
    %add3A_52 = arith.constant 0 : i32
    %add3A_53 = arith.addi %mul3A_2, %add3A_52 : i32
    %run_scoped3A = arith.constant 0 : i32
    "tpu.region"() ({
      %run_scoped3A_208 = tpu.sem_alloc : memref<!tpu.dma_semaphore, #tpu.memory_space<semaphore_mem>>
      %dma_start3A_209 = arith.constant 0 : i32
      %dma_start3A_210 = arith.constant 0 : i32
      %dma_start3A_211 = tpu.memref_slice %arg9[%run_scoped3A, %dma_start3A_209, %dma_start3A_210] : memref<2x64x768xf32, #tpu.memory_space<vmem>> -> memref<1x64x768xf32, #tpu.memory_space<vmem>>
      %dma_start3A_212 = tpu.memref_squeeze %dma_start3A_211 : memref<1x64x768xf32, #tpu.memory_space<vmem>> -> memref<64x768xf32, #tpu.memory_space<vmem>>
      %dma_start3A_213 = arith.constant 0 : i32
      %dma_start3A_214 = tpu.memref_slice %arg6[%add3A_53, %dma_start3A_213] : memref<16384x768xf32, #tpu.memory_space<hbm>> -> memref<64x768xf32, #tpu.memory_space<hbm>>
      %dma_start3A_215 = arith.constant 0 : i32
      %dma_start3A_216 = tpu.memref_slice %arg6[%add3A_53, %dma_start3A_215] : memref<16384x768xf32, #tpu.memory_space<hbm>> -> memref<64x768xf32, #tpu.memory_space<hbm>>
      %dma_start3A_217 = arith.constant 0 : i32
      %dma_start3A_218 = arith.constant 0 : i32
      %dma_start3A_219 = tpu.memref_slice %arg9[%run_scoped3A, %dma_start3A_217, %dma_start3A_218] : memref<2x64x768xf32, #tpu.memory_space<vmem>> -> memref<1x64x768xf32, #tpu.memory_space<vmem>>
      %dma_start3A_220 = tpu.memref_squeeze %dma_start3A_219 : memref<1x64x768xf32, #tpu.memory_space<vmem>> -> memref<64x768xf32, #tpu.memory_space<vmem>>
      tpu.enqueue_dma source(%dma_start3A_220 : memref<64x768xf32, #tpu.memory_space<vmem>>) target(%dma_start3A_216 : memref<64x768xf32, #tpu.memory_space<hbm>>) target_semaphore(%run_scoped3A_208 : memref<!tpu.dma_semaphore, #tpu.memory_space<semaphore_mem>>)
      %dma_wait3A_221 = arith.constant 0 : i32
      %dma_wait3A_222 = arith.constant 0 : i32
      %dma_wait3A_223 = tpu.memref_slice %arg9[%run_scoped3A, %dma_wait3A_221, %dma_wait3A_222] : memref<2x64x768xf32, #tpu.memory_space<vmem>> -> memref<1x64x768xf32, #tpu.memory_space<vmem>>
      %dma_wait3A_224 = tpu.memref_squeeze %dma_wait3A_223 : memref<1x64x768xf32, #tpu.memory_space<vmem>> -> memref<64x768xf32, #tpu.memory_space<vmem>>
      %dma_wait3A_225 = arith.constant 0 : i32
      %dma_wait3A_226 = tpu.memref_slice %arg6[%add3A_53, %dma_wait3A_225] : memref<16384x768xf32, #tpu.memory_space<hbm>> -> memref<64x768xf32, #tpu.memory_space<hbm>>
      %dma_wait3A_227 = arith.constant 0 : i32
      %dma_wait3A_228 = tpu.memref_slice %arg6[%add3A_53, %dma_wait3A_227] : memref<16384x768xf32, #tpu.memory_space<hbm>> -> memref<64x768xf32, #tpu.memory_space<hbm>>
      %dma_wait3A_229 = arith.constant 0 : i32
      %dma_wait3A_230 = arith.constant 0 : i32
      %dma_wait3A_231 = tpu.memref_slice %arg9[%run_scoped3A, %dma_wait3A_229, %dma_wait3A_230] : memref<2x64x768xf32, #tpu.memory_space<vmem>> -> memref<1x64x768xf32, #tpu.memory_space<vmem>>
      %dma_wait3A_232 = tpu.memref_squeeze %dma_wait3A_231 : memref<1x64x768xf32, #tpu.memory_space<vmem>> -> memref<64x768xf32, #tpu.memory_space<vmem>>
      tpu.wait_dma2 semaphore(%run_scoped3A_208 : memref<!tpu.dma_semaphore, #tpu.memory_space<semaphore_mem>>) src(%dma_wait3A_232 : memref<64x768xf32, #tpu.memory_space<vmem>>) dst(%dma_wait3A_228 : memref<64x768xf32, #tpu.memory_space<hbm>>)
      tpu.yield
    }) : () -> ()
    %dma_start3A_54 = arith.constant 0 : i32
    %dma_start3A_55 = arith.constant 0 : i32
    %dma_start3A_56 = arith.constant 0 : i32
    %dma_start3A_57 = tpu.memref_slice %arg9[%dma_start3A_54, %dma_start3A_55, %dma_start3A_56] : memref<2x64x768xf32, #tpu.memory_space<vmem>> -> memref<1x64x768xf32, #tpu.memory_space<vmem>>
    %dma_start3A_58 = tpu.memref_squeeze %dma_start3A_57 : memref<1x64x768xf32, #tpu.memory_space<vmem>> -> memref<64x768xf32, #tpu.memory_space<vmem>>
    %dma_start3A_59 = arith.constant 128 : i32
    %dma_start3A_60 = tpu.memref_slice %arg8[%dma_start3A_59] : memref<512xi32, #tpu.memory_space<vmem>> -> memref<64xi32, #tpu.memory_space<vmem>>
    %dma_start3A_61 = arith.constant 0 : i32
    %dma_start3A_62 = arith.constant 0 : i32
    %dma_start3A_63 = tpu.memref_slice %arg2[%dma_start3A_61, %dma_start3A_62] : memref<30522x768xf32, #tpu.memory_space<hbm>> -> memref<30522x768xf32, #tpu.memory_space<hbm>>
    tpu.enqueue_indirect_dma source(%dma_start3A_63 : memref<30522x768xf32, #tpu.memory_space<hbm>>) target(%dma_start3A_58 : memref<64x768xf32, #tpu.memory_space<vmem>>) offsets(%dma_start3A_60 : memref<64xi32, #tpu.memory_space<vmem>>) semaphore(%arg12 : memref<!tpu.dma_semaphore, #tpu.memory_space<semaphore_mem>>)
    %dma_wait3A_64 = arith.constant 1 : i32
    %dma_wait3A_65 = arith.constant 0 : i32
    %dma_wait3A_66 = arith.constant 0 : i32
    %dma_wait3A_67 = tpu.memref_slice %arg9[%dma_wait3A_64, %dma_wait3A_65, %dma_wait3A_66] : memref<2x64x768xf32, #tpu.memory_space<vmem>> -> memref<1x64x768xf32, #tpu.memory_space<vmem>>
    %dma_wait3A_68 = tpu.memref_squeeze %dma_wait3A_67 : memref<1x64x768xf32, #tpu.memory_space<vmem>> -> memref<64x768xf32, #tpu.memory_space<vmem>>
    %dma_wait3A_69 = arith.constant 64 : i32
    %dma_wait3A_70 = tpu.memref_slice %arg8[%dma_wait3A_69] : memref<512xi32, #tpu.memory_space<vmem>> -> memref<64xi32, #tpu.memory_space<vmem>>
    %dma_wait3A_71 = arith.constant 0 : i32
    %dma_wait3A_72 = arith.constant 0 : i32
    %dma_wait3A_73 = tpu.memref_slice %arg2[%dma_wait3A_71, %dma_wait3A_72] : memref<30522x768xf32, #tpu.memory_space<hbm>> -> memref<30522x768xf32, #tpu.memory_space<hbm>>
    tpu.wait_indirect_dma semaphore(%arg13 : memref<!tpu.dma_semaphore, #tpu.memory_space<semaphore_mem>>) src(%dma_wait3A_73 : memref<30522x768xf32, #tpu.memory_space<hbm>>) dst(%dma_wait3A_68 : memref<64x768xf32, #tpu.memory_space<vmem>>)
    %add3A_74 = arith.constant 64 : i32
    %add3A_75 = arith.addi %mul3A_2, %add3A_74 : i32
    %run_scoped3A_76 = arith.constant 1 : i32
    "tpu.region"() ({
      %run_scoped3A_208 = tpu.sem_alloc : memref<!tpu.dma_semaphore, #tpu.memory_space<semaphore_mem>>
      %dma_start3A_209 = arith.constant 0 : i32
      %dma_start3A_210 = arith.constant 0 : i32
      %dma_start3A_211 = tpu.memref_slice %arg9[%run_scoped3A_76, %dma_start3A_209, %dma_start3A_210] : memref<2x64x768xf32, #tpu.memory_space<vmem>> -> memref<1x64x768xf32, #tpu.memory_space<vmem>>
      %dma_start3A_212 = tpu.memref_squeeze %dma_start3A_211 : memref<1x64x768xf32, #tpu.memory_space<vmem>> -> memref<64x768xf32, #tpu.memory_space<vmem>>
      %dma_start3A_213 = arith.constant 0 : i32
      %dma_start3A_214 = tpu.memref_slice %arg6[%add3A_75, %dma_start3A_213] : memref<16384x768xf32, #tpu.memory_space<hbm>> -> memref<64x768xf32, #tpu.memory_space<hbm>>
      %dma_start3A_215 = arith.constant 0 : i32
      %dma_start3A_216 = tpu.memref_slice %arg6[%add3A_75, %dma_start3A_215] : memref<16384x768xf32, #tpu.memory_space<hbm>> -> memref<64x768xf32, #tpu.memory_space<hbm>>
      %dma_start3A_217 = arith.constant 0 : i32
      %dma_start3A_218 = arith.constant 0 : i32
      %dma_start3A_219 = tpu.memref_slice %arg9[%run_scoped3A_76, %dma_start3A_217, %dma_start3A_218] : memref<2x64x768xf32, #tpu.memory_space<vmem>> -> memref<1x64x768xf32, #tpu.memory_space<vmem>>
      %dma_start3A_220 = tpu.memref_squeeze %dma_start3A_219 : memref<1x64x768xf32, #tpu.memory_space<vmem>> -> memref<64x768xf32, #tpu.memory_space<vmem>>
      tpu.enqueue_dma source(%dma_start3A_220 : memref<64x768xf32, #tpu.memory_space<vmem>>) target(%dma_start3A_216 : memref<64x768xf32, #tpu.memory_space<hbm>>) target_semaphore(%run_scoped3A_208 : memref<!tpu.dma_semaphore, #tpu.memory_space<semaphore_mem>>)
      %dma_wait3A_221 = arith.constant 0 : i32
      %dma_wait3A_222 = arith.constant 0 : i32
      %dma_wait3A_223 = tpu.memref_slice %arg9[%run_scoped3A_76, %dma_wait3A_221, %dma_wait3A_222] : memref<2x64x768xf32, #tpu.memory_space<vmem>> -> memref<1x64x768xf32, #tpu.memory_space<vmem>>
      %dma_wait3A_224 = tpu.memref_squeeze %dma_wait3A_223 : memref<1x64x768xf32, #tpu.memory_space<vmem>> -> memref<64x768xf32, #tpu.memory_space<vmem>>
      %dma_wait3A_225 = arith.constant 0 : i32
      %dma_wait3A_226 = tpu.memref_slice %arg6[%add3A_75, %dma_wait3A_225] : memref<16384x768xf32, #tpu.memory_space<hbm>> -> memref<64x768xf32, #tpu.memory_space<hbm>>
      %dma_wait3A_227 = arith.constant 0 : i32
      %dma_wait3A_228 = tpu.memref_slice %arg6[%add3A_75, %dma_wait3A_227] : memref<16384x768xf32, #tpu.memory_space<hbm>> -> memref<64x768xf32, #tpu.memory_space<hbm>>
      %dma_wait3A_229 = arith.constant 0 : i32
      %dma_wait3A_230 = arith.constant 0 : i32
      %dma_wait3A_231 = tpu.memref_slice %arg9[%run_scoped3A_76, %dma_wait3A_229, %dma_wait3A_230] : memref<2x64x768xf32, #tpu.memory_space<vmem>> -> memref<1x64x768xf32, #tpu.memory_space<vmem>>
      %dma_wait3A_232 = tpu.memref_squeeze %dma_wait3A_231 : memref<1x64x768xf32, #tpu.memory_space<vmem>> -> memref<64x768xf32, #tpu.memory_space<vmem>>
      tpu.wait_dma2 semaphore(%run_scoped3A_208 : memref<!tpu.dma_semaphore, #tpu.memory_space<semaphore_mem>>) src(%dma_wait3A_232 : memref<64x768xf32, #tpu.memory_space<vmem>>) dst(%dma_wait3A_228 : memref<64x768xf32, #tpu.memory_space<hbm>>)
      tpu.yield
    }) : () -> ()
    %dma_start3A_77 = arith.constant 1 : i32
    %dma_start3A_78 = arith.constant 0 : i32
    %dma_start3A_79 = arith.constant 0 : i32
    %dma_start3A_80 = tpu.memref_slice %arg9[%dma_start3A_77, %dma_start3A_78, %dma_start3A_79] : memref<2x64x768xf32, #tpu.memory_space<vmem>> -> memref<1x64x768xf32, #tpu.memory_space<vmem>>
    %dma_start3A_81 = tpu.memref_squeeze %dma_start3A_80 : memref<1x64x768xf32, #tpu.memory_space<vmem>> -> memref<64x768xf32, #tpu.memory_space<vmem>>
    %dma_start3A_82 = arith.constant 192 : i32
    %dma_start3A_83 = tpu.memref_slice %arg8[%dma_start3A_82] : memref<512xi32, #tpu.memory_space<vmem>> -> memref<64xi32, #tpu.memory_space<vmem>>
    %dma_start3A_84 = arith.constant 0 : i32
    %dma_start3A_85 = arith.constant 0 : i32
    %dma_start3A_86 = tpu.memref_slice %arg2[%dma_start3A_84, %dma_start3A_85] : memref<30522x768xf32, #tpu.memory_space<hbm>> -> memref<30522x768xf32, #tpu.memory_space<hbm>>
    tpu.enqueue_indirect_dma source(%dma_start3A_86 : memref<30522x768xf32, #tpu.memory_space<hbm>>) target(%dma_start3A_81 : memref<64x768xf32, #tpu.memory_space<vmem>>) offsets(%dma_start3A_83 : memref<64xi32, #tpu.memory_space<vmem>>) semaphore(%arg13 : memref<!tpu.dma_semaphore, #tpu.memory_space<semaphore_mem>>)
    %dma_wait3A_87 = arith.constant 0 : i32
    %dma_wait3A_88 = arith.constant 0 : i32
    %dma_wait3A_89 = arith.constant 0 : i32
    %dma_wait3A_90 = tpu.memref_slice %arg9[%dma_wait3A_87, %dma_wait3A_88, %dma_wait3A_89] : memref<2x64x768xf32, #tpu.memory_space<vmem>> -> memref<1x64x768xf32, #tpu.memory_space<vmem>>
    %dma_wait3A_91 = tpu.memref_squeeze %dma_wait3A_90 : memref<1x64x768xf32, #tpu.memory_space<vmem>> -> memref<64x768xf32, #tpu.memory_space<vmem>>
    %dma_wait3A_92 = arith.constant 128 : i32
    %dma_wait3A_93 = tpu.memref_slice %arg8[%dma_wait3A_92] : memref<512xi32, #tpu.memory_space<vmem>> -> memref<64xi32, #tpu.memory_space<vmem>>
    %dma_wait3A_94 = arith.constant 0 : i32
    %dma_wait3A_95 = arith.constant 0 : i32
    %dma_wait3A_96 = tpu.memref_slice %arg2[%dma_wait3A_94, %dma_wait3A_95] : memref<30522x768xf32, #tpu.memory_space<hbm>> -> memref<30522x768xf32, #tpu.memory_space<hbm>>
    tpu.wait_indirect_dma semaphore(%arg12 : memref<!tpu.dma_semaphore, #tpu.memory_space<semaphore_mem>>) src(%dma_wait3A_96 : memref<30522x768xf32, #tpu.memory_space<hbm>>) dst(%dma_wait3A_91 : memref<64x768xf32, #tpu.memory_space<vmem>>)
    %add3A_97 = arith.constant 128 : i32
    %add3A_98 = arith.addi %mul3A_2, %add3A_97 : i32
    %run_scoped3A_99 = arith.constant 0 : i32
    "tpu.region"() ({
      %run_scoped3A_208 = tpu.sem_alloc : memref<!tpu.dma_semaphore, #tpu.memory_space<semaphore_mem>>
      %dma_start3A_209 = arith.constant 0 : i32
      %dma_start3A_210 = arith.constant 0 : i32
      %dma_start3A_211 = tpu.memref_slice %arg9[%run_scoped3A_99, %dma_start3A_209, %dma_start3A_210] : memref<2x64x768xf32, #tpu.memory_space<vmem>> -> memref<1x64x768xf32, #tpu.memory_space<vmem>>
      %dma_start3A_212 = tpu.memref_squeeze %dma_start3A_211 : memref<1x64x768xf32, #tpu.memory_space<vmem>> -> memref<64x768xf32, #tpu.memory_space<vmem>>
      %dma_start3A_213 = arith.constant 0 : i32
      %dma_start3A_214 = tpu.memref_slice %arg6[%add3A_98, %dma_start3A_213] : memref<16384x768xf32, #tpu.memory_space<hbm>> -> memref<64x768xf32, #tpu.memory_space<hbm>>
      %dma_start3A_215 = arith.constant 0 : i32
      %dma_start3A_216 = tpu.memref_slice %arg6[%add3A_98, %dma_start3A_215] : memref<16384x768xf32, #tpu.memory_space<hbm>> -> memref<64x768xf32, #tpu.memory_space<hbm>>
      %dma_start3A_217 = arith.constant 0 : i32
      %dma_start3A_218 = arith.constant 0 : i32
      %dma_start3A_219 = tpu.memref_slice %arg9[%run_scoped3A_99, %dma_start3A_217, %dma_start3A_218] : memref<2x64x768xf32, #tpu.memory_space<vmem>> -> memref<1x64x768xf32, #tpu.memory_space<vmem>>
      %dma_start3A_220 = tpu.memref_squeeze %dma_start3A_219 : memref<1x64x768xf32, #tpu.memory_space<vmem>> -> memref<64x768xf32, #tpu.memory_space<vmem>>
      tpu.enqueue_dma source(%dma_start3A_220 : memref<64x768xf32, #tpu.memory_space<vmem>>) target(%dma_start3A_216 : memref<64x768xf32, #tpu.memory_space<hbm>>) target_semaphore(%run_scoped3A_208 : memref<!tpu.dma_semaphore, #tpu.memory_space<semaphore_mem>>)
      %dma_wait3A_221 = arith.constant 0 : i32
      %dma_wait3A_222 = arith.constant 0 : i32
      %dma_wait3A_223 = tpu.memref_slice %arg9[%run_scoped3A_99, %dma_wait3A_221, %dma_wait3A_222] : memref<2x64x768xf32, #tpu.memory_space<vmem>> -> memref<1x64x768xf32, #tpu.memory_space<vmem>>
      %dma_wait3A_224 = tpu.memref_squeeze %dma_wait3A_223 : memref<1x64x768xf32, #tpu.memory_space<vmem>> -> memref<64x768xf32, #tpu.memory_space<vmem>>
      %dma_wait3A_225 = arith.constant 0 : i32
      %dma_wait3A_226 = tpu.memref_slice %arg6[%add3A_98, %dma_wait3A_225] : memref<16384x768xf32, #tpu.memory_space<hbm>> -> memref<64x768xf32, #tpu.memory_space<hbm>>
      %dma_wait3A_227 = arith.constant 0 : i32
      %dma_wait3A_228 = tpu.memref_slice %arg6[%add3A_98, %dma_wait3A_227] : memref<16384x768xf32, #tpu.memory_space<hbm>> -> memref<64x768xf32, #tpu.memory_space<hbm>>
      %dma_wait3A_229 = arith.constant 0 : i32
      %dma_wait3A_230 = arith.constant 0 : i32
      %dma_wait3A_231 = tpu.memref_slice %arg9[%run_scoped3A_99, %dma_wait3A_229, %dma_wait3A_230] : memref<2x64x768xf32, #tpu.memory_space<vmem>> -> memref<1x64x768xf32, #tpu.memory_space<vmem>>
      %dma_wait3A_232 = tpu.memref_squeeze %dma_wait3A_231 : memref<1x64x768xf32, #tpu.memory_space<vmem>> -> memref<64x768xf32, #tpu.memory_space<vmem>>
      tpu.wait_dma2 semaphore(%run_scoped3A_208 : memref<!tpu.dma_semaphore, #tpu.memory_space<semaphore_mem>>) src(%dma_wait3A_232 : memref<64x768xf32, #tpu.memory_space<vmem>>) dst(%dma_wait3A_228 : memref<64x768xf32, #tpu.memory_space<hbm>>)
      tpu.yield
    }) : () -> ()
    %dma_start3A_100 = arith.constant 0 : i32
    %dma_start3A_101 = arith.constant 0 : i32
    %dma_start3A_102 = arith.constant 0 : i32
    %dma_start3A_103 = tpu.memref_slice %arg9[%dma_start3A_100, %dma_start3A_101, %dma_start3A_102] : memref<2x64x768xf32, #tpu.memory_space<vmem>> -> memref<1x64x768xf32, #tpu.memory_space<vmem>>
    %dma_start3A_104 = tpu.memref_squeeze %dma_start3A_103 : memref<1x64x768xf32, #tpu.memory_space<vmem>> -> memref<64x768xf32, #tpu.memory_space<vmem>>
    %dma_start3A_105 = arith.constant 256 : i32
    %dma_start3A_106 = tpu.memref_slice %arg8[%dma_start3A_105] : memref<512xi32, #tpu.memory_space<vmem>> -> memref<64xi32, #tpu.memory_space<vmem>>
    %dma_start3A_107 = arith.constant 0 : i32
    %dma_start3A_108 = arith.constant 0 : i32
    %dma_start3A_109 = tpu.memref_slice %arg2[%dma_start3A_107, %dma_start3A_108] : memref<30522x768xf32, #tpu.memory_space<hbm>> -> memref<30522x768xf32, #tpu.memory_space<hbm>>
    tpu.enqueue_indirect_dma source(%dma_start3A_109 : memref<30522x768xf32, #tpu.memory_space<hbm>>) target(%dma_start3A_104 : memref<64x768xf32, #tpu.memory_space<vmem>>) offsets(%dma_start3A_106 : memref<64xi32, #tpu.memory_space<vmem>>) semaphore(%arg12 : memref<!tpu.dma_semaphore, #tpu.memory_space<semaphore_mem>>)
    %dma_wait3A_110 = arith.constant 1 : i32
    %dma_wait3A_111 = arith.constant 0 : i32
    %dma_wait3A_112 = arith.constant 0 : i32
    %dma_wait3A_113 = tpu.memref_slice %arg9[%dma_wait3A_110, %dma_wait3A_111, %dma_wait3A_112] : memref<2x64x768xf32, #tpu.memory_space<vmem>> -> memref<1x64x768xf32, #tpu.memory_space<vmem>>
    %dma_wait3A_114 = tpu.memref_squeeze %dma_wait3A_113 : memref<1x64x768xf32, #tpu.memory_space<vmem>> -> memref<64x768xf32, #tpu.memory_space<vmem>>
    %dma_wait3A_115 = arith.constant 192 : i32
    %dma_wait3A_116 = tpu.memref_slice %arg8[%dma_wait3A_115] : memref<512xi32, #tpu.memory_space<vmem>> -> memref<64xi32, #tpu.memory_space<vmem>>
    %dma_wait3A_117 = arith.constant 0 : i32
    %dma_wait3A_118 = arith.constant 0 : i32
    %dma_wait3A_119 = tpu.memref_slice %arg2[%dma_wait3A_117, %dma_wait3A_118] : memref<30522x768xf32, #tpu.memory_space<hbm>> -> memref<30522x768xf32, #tpu.memory_space<hbm>>
    tpu.wait_indirect_dma semaphore(%arg13 : memref<!tpu.dma_semaphore, #tpu.memory_space<semaphore_mem>>) src(%dma_wait3A_119 : memref<30522x768xf32, #tpu.memory_space<hbm>>) dst(%dma_wait3A_114 : memref<64x768xf32, #tpu.memory_space<vmem>>)
    %add3A_120 = arith.constant 192 : i32
    %add3A_121 = arith.addi %mul3A_2, %add3A_120 : i32
    %run_scoped3A_122 = arith.constant 1 : i32
    "tpu.region"() ({
      %run_scoped3A_208 = tpu.sem_alloc : memref<!tpu.dma_semaphore, #tpu.memory_space<semaphore_mem>>
      %dma_start3A_209 = arith.constant 0 : i32
      %dma_start3A_210 = arith.constant 0 : i32
      %dma_start3A_211 = tpu.memref_slice %arg9[%run_scoped3A_122, %dma_start3A_209, %dma_start3A_210] : memref<2x64x768xf32, #tpu.memory_space<vmem>> -> memref<1x64x768xf32, #tpu.memory_space<vmem>>
      %dma_start3A_212 = tpu.memref_squeeze %dma_start3A_211 : memref<1x64x768xf32, #tpu.memory_space<vmem>> -> memref<64x768xf32, #tpu.memory_space<vmem>>
      %dma_start3A_213 = arith.constant 0 : i32
      %dma_start3A_214 = tpu.memref_slice %arg6[%add3A_121, %dma_start3A_213] : memref<16384x768xf32, #tpu.memory_space<hbm>> -> memref<64x768xf32, #tpu.memory_space<hbm>>
      %dma_start3A_215 = arith.constant 0 : i32
      %dma_start3A_216 = tpu.memref_slice %arg6[%add3A_121, %dma_start3A_215] : memref<16384x768xf32, #tpu.memory_space<hbm>> -> memref<64x768xf32, #tpu.memory_space<hbm>>
      %dma_start3A_217 = arith.constant 0 : i32
      %dma_start3A_218 = arith.constant 0 : i32
      %dma_start3A_219 = tpu.memref_slice %arg9[%run_scoped3A_122, %dma_start3A_217, %dma_start3A_218] : memref<2x64x768xf32, #tpu.memory_space<vmem>> -> memref<1x64x768xf32, #tpu.memory_space<vmem>>
      %dma_start3A_220 = tpu.memref_squeeze %dma_start3A_219 : memref<1x64x768xf32, #tpu.memory_space<vmem>> -> memref<64x768xf32, #tpu.memory_space<vmem>>
      tpu.enqueue_dma source(%dma_start3A_220 : memref<64x768xf32, #tpu.memory_space<vmem>>) target(%dma_start3A_216 : memref<64x768xf32, #tpu.memory_space<hbm>>) target_semaphore(%run_scoped3A_208 : memref<!tpu.dma_semaphore, #tpu.memory_space<semaphore_mem>>)
      %dma_wait3A_221 = arith.constant 0 : i32
      %dma_wait3A_222 = arith.constant 0 : i32
      %dma_wait3A_223 = tpu.memref_slice %arg9[%run_scoped3A_122, %dma_wait3A_221, %dma_wait3A_222] : memref<2x64x768xf32, #tpu.memory_space<vmem>> -> memref<1x64x768xf32, #tpu.memory_space<vmem>>
      %dma_wait3A_224 = tpu.memref_squeeze %dma_wait3A_223 : memref<1x64x768xf32, #tpu.memory_space<vmem>> -> memref<64x768xf32, #tpu.memory_space<vmem>>
      %dma_wait3A_225 = arith.constant 0 : i32
      %dma_wait3A_226 = tpu.memref_slice %arg6[%add3A_121, %dma_wait3A_225] : memref<16384x768xf32, #tpu.memory_space<hbm>> -> memref<64x768xf32, #tpu.memory_space<hbm>>
      %dma_wait3A_227 = arith.constant 0 : i32
      %dma_wait3A_228 = tpu.memref_slice %arg6[%add3A_121, %dma_wait3A_227] : memref<16384x768xf32, #tpu.memory_space<hbm>> -> memref<64x768xf32, #tpu.memory_space<hbm>>
      %dma_wait3A_229 = arith.constant 0 : i32
      %dma_wait3A_230 = arith.constant 0 : i32
      %dma_wait3A_231 = tpu.memref_slice %arg9[%run_scoped3A_122, %dma_wait3A_229, %dma_wait3A_230] : memref<2x64x768xf32, #tpu.memory_space<vmem>> -> memref<1x64x768xf32, #tpu.memory_space<vmem>>
      %dma_wait3A_232 = tpu.memref_squeeze %dma_wait3A_231 : memref<1x64x768xf32, #tpu.memory_space<vmem>> -> memref<64x768xf32, #tpu.memory_space<vmem>>
      tpu.wait_dma2 semaphore(%run_scoped3A_208 : memref<!tpu.dma_semaphore, #tpu.memory_space<semaphore_mem>>) src(%dma_wait3A_232 : memref<64x768xf32, #tpu.memory_space<vmem>>) dst(%dma_wait3A_228 : memref<64x768xf32, #tpu.memory_space<hbm>>)
      tpu.yield
    }) : () -> ()
    %dma_start3A_123 = arith.constant 1 : i32
    %dma_start3A_124 = arith.constant 0 : i32
    %dma_start3A_125 = arith.constant 0 : i32
    %dma_start3A_126 = tpu.memref_slice %arg9[%dma_start3A_123, %dma_start3A_124, %dma_start3A_125] : memref<2x64x768xf32, #tpu.memory_space<vmem>> -> memref<1x64x768xf32, #tpu.memory_space<vmem>>
    %dma_start3A_127 = tpu.memref_squeeze %dma_start3A_126 : memref<1x64x768xf32, #tpu.memory_space<vmem>> -> memref<64x768xf32, #tpu.memory_space<vmem>>
    %dma_start3A_128 = arith.constant 320 : i32
    %dma_start3A_129 = tpu.memref_slice %arg8[%dma_start3A_128] : memref<512xi32, #tpu.memory_space<vmem>> -> memref<64xi32, #tpu.memory_space<vmem>>
    %dma_start3A_130 = arith.constant 0 : i32
    %dma_start3A_131 = arith.constant 0 : i32
    %dma_start3A_132 = tpu.memref_slice %arg2[%dma_start3A_130, %dma_start3A_131] : memref<30522x768xf32, #tpu.memory_space<hbm>> -> memref<30522x768xf32, #tpu.memory_space<hbm>>
    tpu.enqueue_indirect_dma source(%dma_start3A_132 : memref<30522x768xf32, #tpu.memory_space<hbm>>) target(%dma_start3A_127 : memref<64x768xf32, #tpu.memory_space<vmem>>) offsets(%dma_start3A_129 : memref<64xi32, #tpu.memory_space<vmem>>) semaphore(%arg13 : memref<!tpu.dma_semaphore, #tpu.memory_space<semaphore_mem>>)
    %dma_wait3A_133 = arith.constant 0 : i32
    %dma_wait3A_134 = arith.constant 0 : i32
    %dma_wait3A_135 = arith.constant 0 : i32
    %dma_wait3A_136 = tpu.memref_slice %arg9[%dma_wait3A_133, %dma_wait3A_134, %dma_wait3A_135] : memref<2x64x768xf32, #tpu.memory_space<vmem>> -> memref<1x64x768xf32, #tpu.memory_space<vmem>>
    %dma_wait3A_137 = tpu.memref_squeeze %dma_wait3A_136 : memref<1x64x768xf32, #tpu.memory_space<vmem>> -> memref<64x768xf32, #tpu.memory_space<vmem>>
    %dma_wait3A_138 = arith.constant 256 : i32
    %dma_wait3A_139 = tpu.memref_slice %arg8[%dma_wait3A_138] : memref<512xi32, #tpu.memory_space<vmem>> -> memref<64xi32, #tpu.memory_space<vmem>>
    %dma_wait3A_140 = arith.constant 0 : i32
    %dma_wait3A_141 = arith.constant 0 : i32
    %dma_wait3A_142 = tpu.memref_slice %arg2[%dma_wait3A_140, %dma_wait3A_141] : memref<30522x768xf32, #tpu.memory_space<hbm>> -> memref<30522x768xf32, #tpu.memory_space<hbm>>
    tpu.wait_indirect_dma semaphore(%arg12 : memref<!tpu.dma_semaphore, #tpu.memory_space<semaphore_mem>>) src(%dma_wait3A_142 : memref<30522x768xf32, #tpu.memory_space<hbm>>) dst(%dma_wait3A_137 : memref<64x768xf32, #tpu.memory_space<vmem>>)
    %add3A_143 = arith.constant 256 : i32
    %add3A_144 = arith.addi %mul3A_2, %add3A_143 : i32
    %run_scoped3A_145 = arith.constant 0 : i32
    "tpu.region"() ({
      %run_scoped3A_208 = tpu.sem_alloc : memref<!tpu.dma_semaphore, #tpu.memory_space<semaphore_mem>>
      %dma_start3A_209 = arith.constant 0 : i32
      %dma_start3A_210 = arith.constant 0 : i32
      %dma_start3A_211 = tpu.memref_slice %arg9[%run_scoped3A_145, %dma_start3A_209, %dma_start3A_210] : memref<2x64x768xf32, #tpu.memory_space<vmem>> -> memref<1x64x768xf32, #tpu.memory_space<vmem>>
      %dma_start3A_212 = tpu.memref_squeeze %dma_start3A_211 : memref<1x64x768xf32, #tpu.memory_space<vmem>> -> memref<64x768xf32, #tpu.memory_space<vmem>>
      %dma_start3A_213 = arith.constant 0 : i32
      %dma_start3A_214 = tpu.memref_slice %arg6[%add3A_144, %dma_start3A_213] : memref<16384x768xf32, #tpu.memory_space<hbm>> -> memref<64x768xf32, #tpu.memory_space<hbm>>
      %dma_start3A_215 = arith.constant 0 : i32
      %dma_start3A_216 = tpu.memref_slice %arg6[%add3A_144, %dma_start3A_215] : memref<16384x768xf32, #tpu.memory_space<hbm>> -> memref<64x768xf32, #tpu.memory_space<hbm>>
      %dma_start3A_217 = arith.constant 0 : i32
      %dma_start3A_218 = arith.constant 0 : i32
      %dma_start3A_219 = tpu.memref_slice %arg9[%run_scoped3A_145, %dma_start3A_217, %dma_start3A_218] : memref<2x64x768xf32, #tpu.memory_space<vmem>> -> memref<1x64x768xf32, #tpu.memory_space<vmem>>
      %dma_start3A_220 = tpu.memref_squeeze %dma_start3A_219 : memref<1x64x768xf32, #tpu.memory_space<vmem>> -> memref<64x768xf32, #tpu.memory_space<vmem>>
      tpu.enqueue_dma source(%dma_start3A_220 : memref<64x768xf32, #tpu.memory_space<vmem>>) target(%dma_start3A_216 : memref<64x768xf32, #tpu.memory_space<hbm>>) target_semaphore(%run_scoped3A_208 : memref<!tpu.dma_semaphore, #tpu.memory_space<semaphore_mem>>)
      %dma_wait3A_221 = arith.constant 0 : i32
      %dma_wait3A_222 = arith.constant 0 : i32
      %dma_wait3A_223 = tpu.memref_slice %arg9[%run_scoped3A_145, %dma_wait3A_221, %dma_wait3A_222] : memref<2x64x768xf32, #tpu.memory_space<vmem>> -> memref<1x64x768xf32, #tpu.memory_space<vmem>>
      %dma_wait3A_224 = tpu.memref_squeeze %dma_wait3A_223 : memref<1x64x768xf32, #tpu.memory_space<vmem>> -> memref<64x768xf32, #tpu.memory_space<vmem>>
      %dma_wait3A_225 = arith.constant 0 : i32
      %dma_wait3A_226 = tpu.memref_slice %arg6[%add3A_144, %dma_wait3A_225] : memref<16384x768xf32, #tpu.memory_space<hbm>> -> memref<64x768xf32, #tpu.memory_space<hbm>>
      %dma_wait3A_227 = arith.constant 0 : i32
      %dma_wait3A_228 = tpu.memref_slice %arg6[%add3A_144, %dma_wait3A_227] : memref<16384x768xf32, #tpu.memory_space<hbm>> -> memref<64x768xf32, #tpu.memory_space<hbm>>
      %dma_wait3A_229 = arith.constant 0 : i32
      %dma_wait3A_230 = arith.constant 0 : i32
      %dma_wait3A_231 = tpu.memref_slice %arg9[%run_scoped3A_145, %dma_wait3A_229, %dma_wait3A_230] : memref<2x64x768xf32, #tpu.memory_space<vmem>> -> memref<1x64x768xf32, #tpu.memory_space<vmem>>
      %dma_wait3A_232 = tpu.memref_squeeze %dma_wait3A_231 : memref<1x64x768xf32, #tpu.memory_space<vmem>> -> memref<64x768xf32, #tpu.memory_space<vmem>>
      tpu.wait_dma2 semaphore(%run_scoped3A_208 : memref<!tpu.dma_semaphore, #tpu.memory_space<semaphore_mem>>) src(%dma_wait3A_232 : memref<64x768xf32, #tpu.memory_space<vmem>>) dst(%dma_wait3A_228 : memref<64x768xf32, #tpu.memory_space<hbm>>)
      tpu.yield
    }) : () -> ()
    %dma_start3A_146 = arith.constant 0 : i32
    %dma_start3A_147 = arith.constant 0 : i32
    %dma_start3A_148 = arith.constant 0 : i32
    %dma_start3A_149 = tpu.memref_slice %arg9[%dma_start3A_146, %dma_start3A_147, %dma_start3A_148] : memref<2x64x768xf32, #tpu.memory_space<vmem>> -> memref<1x64x768xf32, #tpu.memory_space<vmem>>
    %dma_start3A_150 = tpu.memref_squeeze %dma_start3A_149 : memref<1x64x768xf32, #tpu.memory_space<vmem>> -> memref<64x768xf32, #tpu.memory_space<vmem>>
    %dma_start3A_151 = arith.constant 384 : i32
    %dma_start3A_152 = tpu.memref_slice %arg8[%dma_start3A_151] : memref<512xi32, #tpu.memory_space<vmem>> -> memref<64xi32, #tpu.memory_space<vmem>>
    %dma_start3A_153 = arith.constant 0 : i32
    %dma_start3A_154 = arith.constant 0 : i32
    %dma_start3A_155 = tpu.memref_slice %arg2[%dma_start3A_153, %dma_start3A_154] : memref<30522x768xf32, #tpu.memory_space<hbm>> -> memref<30522x768xf32, #tpu.memory_space<hbm>>
    tpu.enqueue_indirect_dma source(%dma_start3A_155 : memref<30522x768xf32, #tpu.memory_space<hbm>>) target(%dma_start3A_150 : memref<64x768xf32, #tpu.memory_space<vmem>>) offsets(%dma_start3A_152 : memref<64xi32, #tpu.memory_space<vmem>>) semaphore(%arg12 : memref<!tpu.dma_semaphore, #tpu.memory_space<semaphore_mem>>)
    %dma_wait3A_156 = arith.constant 1 : i32
    %dma_wait3A_157 = arith.constant 0 : i32
    %dma_wait3A_158 = arith.constant 0 : i32
    %dma_wait3A_159 = tpu.memref_slice %arg9[%dma_wait3A_156, %dma_wait3A_157, %dma_wait3A_158] : memref<2x64x768xf32, #tpu.memory_space<vmem>> -> memref<1x64x768xf32, #tpu.memory_space<vmem>>
    %dma_wait3A_160 = tpu.memref_squeeze %dma_wait3A_159 : memref<1x64x768xf32, #tpu.memory_space<vmem>> -> memref<64x768xf32, #tpu.memory_space<vmem>>
    %dma_wait3A_161 = arith.constant 320 : i32
    %dma_wait3A_162 = tpu.memref_slice %arg8[%dma_wait3A_161] : memref<512xi32, #tpu.memory_space<vmem>> -> memref<64xi32, #tpu.memory_space<vmem>>
    %dma_wait3A_163 = arith.constant 0 : i32
    %dma_wait3A_164 = arith.constant 0 : i32
    %dma_wait3A_165 = tpu.memref_slice %arg2[%dma_wait3A_163, %dma_wait3A_164] : memref<30522x768xf32, #tpu.memory_space<hbm>> -> memref<30522x768xf32, #tpu.memory_space<hbm>>
    tpu.wait_indirect_dma semaphore(%arg13 : memref<!tpu.dma_semaphore, #tpu.memory_space<semaphore_mem>>) src(%dma_wait3A_165 : memref<30522x768xf32, #tpu.memory_space<hbm>>) dst(%dma_wait3A_160 : memref<64x768xf32, #tpu.memory_space<vmem>>)
    %add3A_166 = arith.constant 320 : i32
    %add3A_167 = arith.addi %mul3A_2, %add3A_166 : i32
    %run_scoped3A_168 = arith.constant 1 : i32
    "tpu.region"() ({
      %run_scoped3A_208 = tpu.sem_alloc : memref<!tpu.dma_semaphore, #tpu.memory_space<semaphore_mem>>
      %dma_start3A_209 = arith.constant 0 : i32
      %dma_start3A_210 = arith.constant 0 : i32
      %dma_start3A_211 = tpu.memref_slice %arg9[%run_scoped3A_168, %dma_start3A_209, %dma_start3A_210] : memref<2x64x768xf32, #tpu.memory_space<vmem>> -> memref<1x64x768xf32, #tpu.memory_space<vmem>>
      %dma_start3A_212 = tpu.memref_squeeze %dma_start3A_211 : memref<1x64x768xf32, #tpu.memory_space<vmem>> -> memref<64x768xf32, #tpu.memory_space<vmem>>
      %dma_start3A_213 = arith.constant 0 : i32
      %dma_start3A_214 = tpu.memref_slice %arg6[%add3A_167, %dma_start3A_213] : memref<16384x768xf32, #tpu.memory_space<hbm>> -> memref<64x768xf32, #tpu.memory_space<hbm>>
      %dma_start3A_215 = arith.constant 0 : i32
      %dma_start3A_216 = tpu.memref_slice %arg6[%add3A_167, %dma_start3A_215] : memref<16384x768xf32, #tpu.memory_space<hbm>> -> memref<64x768xf32, #tpu.memory_space<hbm>>
      %dma_start3A_217 = arith.constant 0 : i32
      %dma_start3A_218 = arith.constant 0 : i32
      %dma_start3A_219 = tpu.memref_slice %arg9[%run_scoped3A_168, %dma_start3A_217, %dma_start3A_218] : memref<2x64x768xf32, #tpu.memory_space<vmem>> -> memref<1x64x768xf32, #tpu.memory_space<vmem>>
      %dma_start3A_220 = tpu.memref_squeeze %dma_start3A_219 : memref<1x64x768xf32, #tpu.memory_space<vmem>> -> memref<64x768xf32, #tpu.memory_space<vmem>>
      tpu.enqueue_dma source(%dma_start3A_220 : memref<64x768xf32, #tpu.memory_space<vmem>>) target(%dma_start3A_216 : memref<64x768xf32, #tpu.memory_space<hbm>>) target_semaphore(%run_scoped3A_208 : memref<!tpu.dma_semaphore, #tpu.memory_space<semaphore_mem>>)
      %dma_wait3A_221 = arith.constant 0 : i32
      %dma_wait3A_222 = arith.constant 0 : i32
      %dma_wait3A_223 = tpu.memref_slice %arg9[%run_scoped3A_168, %dma_wait3A_221, %dma_wait3A_222] : memref<2x64x768xf32, #tpu.memory_space<vmem>> -> memref<1x64x768xf32, #tpu.memory_space<vmem>>
      %dma_wait3A_224 = tpu.memref_squeeze %dma_wait3A_223 : memref<1x64x768xf32, #tpu.memory_space<vmem>> -> memref<64x768xf32, #tpu.memory_space<vmem>>
      %dma_wait3A_225 = arith.constant 0 : i32
      %dma_wait3A_226 = tpu.memref_slice %arg6[%add3A_167, %dma_wait3A_225] : memref<16384x768xf32, #tpu.memory_space<hbm>> -> memref<64x768xf32, #tpu.memory_space<hbm>>
      %dma_wait3A_227 = arith.constant 0 : i32
      %dma_wait3A_228 = tpu.memref_slice %arg6[%add3A_167, %dma_wait3A_227] : memref<16384x768xf32, #tpu.memory_space<hbm>> -> memref<64x768xf32, #tpu.memory_space<hbm>>
      %dma_wait3A_229 = arith.constant 0 : i32
      %dma_wait3A_230 = arith.constant 0 : i32
      %dma_wait3A_231 = tpu.memref_slice %arg9[%run_scoped3A_168, %dma_wait3A_229, %dma_wait3A_230] : memref<2x64x768xf32, #tpu.memory_space<vmem>> -> memref<1x64x768xf32, #tpu.memory_space<vmem>>
      %dma_wait3A_232 = tpu.memref_squeeze %dma_wait3A_231 : memref<1x64x768xf32, #tpu.memory_space<vmem>> -> memref<64x768xf32, #tpu.memory_space<vmem>>
      tpu.wait_dma2 semaphore(%run_scoped3A_208 : memref<!tpu.dma_semaphore, #tpu.memory_space<semaphore_mem>>) src(%dma_wait3A_232 : memref<64x768xf32, #tpu.memory_space<vmem>>) dst(%dma_wait3A_228 : memref<64x768xf32, #tpu.memory_space<hbm>>)
      tpu.yield
    }) : () -> ()
    %dma_start3A_169 = arith.constant 1 : i32
    %dma_start3A_170 = arith.constant 0 : i32
    %dma_start3A_171 = arith.constant 0 : i32
    %dma_start3A_172 = tpu.memref_slice %arg9[%dma_start3A_169, %dma_start3A_170, %dma_start3A_171] : memref<2x64x768xf32, #tpu.memory_space<vmem>> -> memref<1x64x768xf32, #tpu.memory_space<vmem>>
    %dma_start3A_173 = tpu.memref_squeeze %dma_start3A_172 : memref<1x64x768xf32, #tpu.memory_space<vmem>> -> memref<64x768xf32, #tpu.memory_space<vmem>>
    %dma_start3A_174 = arith.constant 448 : i32
    %dma_start3A_175 = tpu.memref_slice %arg8[%dma_start3A_174] : memref<512xi32, #tpu.memory_space<vmem>> -> memref<64xi32, #tpu.memory_space<vmem>>
    %dma_start3A_176 = arith.constant 0 : i32
    %dma_start3A_177 = arith.constant 0 : i32
    %dma_start3A_178 = tpu.memref_slice %arg2[%dma_start3A_176, %dma_start3A_177] : memref<30522x768xf32, #tpu.memory_space<hbm>> -> memref<30522x768xf32, #tpu.memory_space<hbm>>
    tpu.enqueue_indirect_dma source(%dma_start3A_178 : memref<30522x768xf32, #tpu.memory_space<hbm>>) target(%dma_start3A_173 : memref<64x768xf32, #tpu.memory_space<vmem>>) offsets(%dma_start3A_175 : memref<64xi32, #tpu.memory_space<vmem>>) semaphore(%arg13 : memref<!tpu.dma_semaphore, #tpu.memory_space<semaphore_mem>>)
    %dma_wait3A_179 = arith.constant 0 : i32
    %dma_wait3A_180 = arith.constant 0 : i32
    %dma_wait3A_181 = arith.constant 0 : i32
    %dma_wait3A_182 = tpu.memref_slice %arg9[%dma_wait3A_179, %dma_wait3A_180, %dma_wait3A_181] : memref<2x64x768xf32, #tpu.memory_space<vmem>> -> memref<1x64x768xf32, #tpu.memory_space<vmem>>
    %dma_wait3A_183 = tpu.memref_squeeze %dma_wait3A_182 : memref<1x64x768xf32, #tpu.memory_space<vmem>> -> memref<64x768xf32, #tpu.memory_space<vmem>>
    %dma_wait3A_184 = arith.constant 384 : i32
    %dma_wait3A_185 = tpu.memref_slice %arg8[%dma_wait3A_184] : memref<512xi32, #tpu.memory_space<vmem>> -> memref<64xi32, #tpu.memory_space<vmem>>
    %dma_wait3A_186 = arith.constant 0 : i32
    %dma_wait3A_187 = arith.constant 0 : i32
    %dma_wait3A_188 = tpu.memref_slice %arg2[%dma_wait3A_186, %dma_wait3A_187] : memref<30522x768xf32, #tpu.memory_space<hbm>> -> memref<30522x768xf32, #tpu.memory_space<hbm>>
    tpu.wait_indirect_dma semaphore(%arg12 : memref<!tpu.dma_semaphore, #tpu.memory_space<semaphore_mem>>) src(%dma_wait3A_188 : memref<30522x768xf32, #tpu.memory_space<hbm>>) dst(%dma_wait3A_183 : memref<64x768xf32, #tpu.memory_space<vmem>>)
    %add3A_189 = arith.constant 384 : i32
    %add3A_190 = arith.addi %mul3A_2, %add3A_189 : i32
    %run_scoped3A_191 = arith.constant 0 : i32
    "tpu.region"() ({
      %run_scoped3A_208 = tpu.sem_alloc : memref<!tpu.dma_semaphore, #tpu.memory_space<semaphore_mem>>
      %dma_start3A_209 = arith.constant 0 : i32
      %dma_start3A_210 = arith.constant 0 : i32
      %dma_start3A_211 = tpu.memref_slice %arg9[%run_scoped3A_191, %dma_start3A_209, %dma_start3A_210] : memref<2x64x768xf32, #tpu.memory_space<vmem>> -> memref<1x64x768xf32, #tpu.memory_space<vmem>>
      %dma_start3A_212 = tpu.memref_squeeze %dma_start3A_211 : memref<1x64x768xf32, #tpu.memory_space<vmem>> -> memref<64x768xf32, #tpu.memory_space<vmem>>
      %dma_start3A_213 = arith.constant 0 : i32
      %dma_start3A_214 = tpu.memref_slice %arg6[%add3A_190, %dma_start3A_213] : memref<16384x768xf32, #tpu.memory_space<hbm>> -> memref<64x768xf32, #tpu.memory_space<hbm>>
      %dma_start3A_215 = arith.constant 0 : i32
      %dma_start3A_216 = tpu.memref_slice %arg6[%add3A_190, %dma_start3A_215] : memref<16384x768xf32, #tpu.memory_space<hbm>> -> memref<64x768xf32, #tpu.memory_space<hbm>>
      %dma_start3A_217 = arith.constant 0 : i32
      %dma_start3A_218 = arith.constant 0 : i32
      %dma_start3A_219 = tpu.memref_slice %arg9[%run_scoped3A_191, %dma_start3A_217, %dma_start3A_218] : memref<2x64x768xf32, #tpu.memory_space<vmem>> -> memref<1x64x768xf32, #tpu.memory_space<vmem>>
      %dma_start3A_220 = tpu.memref_squeeze %dma_start3A_219 : memref<1x64x768xf32, #tpu.memory_space<vmem>> -> memref<64x768xf32, #tpu.memory_space<vmem>>
      tpu.enqueue_dma source(%dma_start3A_220 : memref<64x768xf32, #tpu.memory_space<vmem>>) target(%dma_start3A_216 : memref<64x768xf32, #tpu.memory_space<hbm>>) target_semaphore(%run_scoped3A_208 : memref<!tpu.dma_semaphore, #tpu.memory_space<semaphore_mem>>)
      %dma_wait3A_221 = arith.constant 0 : i32
      %dma_wait3A_222 = arith.constant 0 : i32
      %dma_wait3A_223 = tpu.memref_slice %arg9[%run_scoped3A_191, %dma_wait3A_221, %dma_wait3A_222] : memref<2x64x768xf32, #tpu.memory_space<vmem>> -> memref<1x64x768xf32, #tpu.memory_space<vmem>>
      %dma_wait3A_224 = tpu.memref_squeeze %dma_wait3A_223 : memref<1x64x768xf32, #tpu.memory_space<vmem>> -> memref<64x768xf32, #tpu.memory_space<vmem>>
      %dma_wait3A_225 = arith.constant 0 : i32
      %dma_wait3A_226 = tpu.memref_slice %arg6[%add3A_190, %dma_wait3A_225] : memref<16384x768xf32, #tpu.memory_space<hbm>> -> memref<64x768xf32, #tpu.memory_space<hbm>>
      %dma_wait3A_227 = arith.constant 0 : i32
      %dma_wait3A_228 = tpu.memref_slice %arg6[%add3A_190, %dma_wait3A_227] : memref<16384x768xf32, #tpu.memory_space<hbm>> -> memref<64x768xf32, #tpu.memory_space<hbm>>
      %dma_wait3A_229 = arith.constant 0 : i32
      %dma_wait3A_230 = arith.constant 0 : i32
      %dma_wait3A_231 = tpu.memref_slice %arg9[%run_scoped3A_191, %dma_wait3A_229, %dma_wait3A_230] : memref<2x64x768xf32, #tpu.memory_space<vmem>> -> memref<1x64x768xf32, #tpu.memory_space<vmem>>
      %dma_wait3A_232 = tpu.memref_squeeze %dma_wait3A_231 : memref<1x64x768xf32, #tpu.memory_space<vmem>> -> memref<64x768xf32, #tpu.memory_space<vmem>>
      tpu.wait_dma2 semaphore(%run_scoped3A_208 : memref<!tpu.dma_semaphore, #tpu.memory_space<semaphore_mem>>) src(%dma_wait3A_232 : memref<64x768xf32, #tpu.memory_space<vmem>>) dst(%dma_wait3A_228 : memref<64x768xf32, #tpu.memory_space<hbm>>)
      tpu.yield
    }) : () -> ()
    %dma_wait3A_192 = arith.constant 1 : i32
    %dma_wait3A_193 = arith.constant 0 : i32
    %dma_wait3A_194 = arith.constant 0 : i32
    %dma_wait3A_195 = tpu.memref_slice %arg9[%dma_wait3A_192, %dma_wait3A_193, %dma_wait3A_194] : memref<2x64x768xf32, #tpu.memory_space<vmem>> -> memref<1x64x768xf32, #tpu.memory_space<vmem>>
    %dma_wait3A_196 = tpu.memref_squeeze %dma_wait3A_195 : memref<1x64x768xf32, #tpu.memory_space<vmem>> -> memref<64x768xf32, #tpu.memory_space<vmem>>
    %dma_wait3A_197 = arith.constant 448 : i32
    %dma_wait3A_198 = tpu.memref_slice %arg8[%dma_wait3A_197] : memref<512xi32, #tpu.memory_space<vmem>> -> memref<64xi32, #tpu.memory_space<vmem>>
    %dma_wait3A_199 = arith.constant 0 : i32
    %dma_wait3A_200 = arith.constant 0 : i32
    %dma_wait3A_201 = tpu.memref_slice %arg2[%dma_wait3A_199, %dma_wait3A_200] : memref<30522x768xf32, #tpu.memory_space<hbm>> -> memref<30522x768xf32, #tpu.memory_space<hbm>>
    tpu.wait_indirect_dma semaphore(%arg13 : memref<!tpu.dma_semaphore, #tpu.memory_space<semaphore_mem>>) src(%dma_wait3A_201 : memref<30522x768xf32, #tpu.memory_space<hbm>>) dst(%dma_wait3A_196 : memref<64x768xf32, #tpu.memory_space<vmem>>)
    %add3A_202 = arith.constant 448 : i32
    %add3A_203 = arith.addi %mul3A_2, %add3A_202 : i32
    %run_scoped3A_204 = arith.constant 1 : i32
    "tpu.region"() ({
      %run_scoped3A_208 = tpu.sem_alloc : memref<!tpu.dma_semaphore, #tpu.memory_space<semaphore_mem>>
      %dma_start3A_209 = arith.constant 0 : i32
      %dma_start3A_210 = arith.constant 0 : i32
      %dma_start3A_211 = tpu.memref_slice %arg9[%run_scoped3A_204, %dma_start3A_209, %dma_start3A_210] : memref<2x64x768xf32, #tpu.memory_space<vmem>> -> memref<1x64x768xf32, #tpu.memory_space<vmem>>
      %dma_start3A_212 = tpu.memref_squeeze %dma_start3A_211 : memref<1x64x768xf32, #tpu.memory_space<vmem>> -> memref<64x768xf32, #tpu.memory_space<vmem>>
      %dma_start3A_213 = arith.constant 0 : i32
      %dma_start3A_214 = tpu.memref_slice %arg6[%add3A_203, %dma_start3A_213] : memref<16384x768xf32, #tpu.memory_space<hbm>> -> memref<64x768xf32, #tpu.memory_space<hbm>>
      %dma_start3A_215 = arith.constant 0 : i32
      %dma_start3A_216 = tpu.memref_slice %arg6[%add3A_203, %dma_start3A_215] : memref<16384x768xf32, #tpu.memory_space<hbm>> -> memref<64x768xf32, #tpu.memory_space<hbm>>
      %dma_start3A_217 = arith.constant 0 : i32
      %dma_start3A_218 = arith.constant 0 : i32
      %dma_start3A_219 = tpu.memref_slice %arg9[%run_scoped3A_204, %dma_start3A_217, %dma_start3A_218] : memref<2x64x768xf32, #tpu.memory_space<vmem>> -> memref<1x64x768xf32, #tpu.memory_space<vmem>>
      %dma_start3A_220 = tpu.memref_squeeze %dma_start3A_219 : memref<1x64x768xf32, #tpu.memory_space<vmem>> -> memref<64x768xf32, #tpu.memory_space<vmem>>
      tpu.enqueue_dma source(%dma_start3A_220 : memref<64x768xf32, #tpu.memory_space<vmem>>) target(%dma_start3A_216 : memref<64x768xf32, #tpu.memory_space<hbm>>) target_semaphore(%run_scoped3A_208 : memref<!tpu.dma_semaphore, #tpu.memory_space<semaphore_mem>>)
      %dma_wait3A_221 = arith.constant 0 : i32
      %dma_wait3A_222 = arith.constant 0 : i32
      %dma_wait3A_223 = tpu.memref_slice %arg9[%run_scoped3A_204, %dma_wait3A_221, %dma_wait3A_222] : memref<2x64x768xf32, #tpu.memory_space<vmem>> -> memref<1x64x768xf32, #tpu.memory_space<vmem>>
      %dma_wait3A_224 = tpu.memref_squeeze %dma_wait3A_223 : memref<1x64x768xf32, #tpu.memory_space<vmem>> -> memref<64x768xf32, #tpu.memory_space<vmem>>
      %dma_wait3A_225 = arith.constant 0 : i32
      %dma_wait3A_226 = tpu.memref_slice %arg6[%add3A_203, %dma_wait3A_225] : memref<16384x768xf32, #tpu.memory_space<hbm>> -> memref<64x768xf32, #tpu.memory_space<hbm>>
      %dma_wait3A_227 = arith.constant 0 : i32
      %dma_wait3A_228 = tpu.memref_slice %arg6[%add3A_203, %dma_wait3A_227] : memref<16384x768xf32, #tpu.memory_space<hbm>> -> memref<64x768xf32, #tpu.memory_space<hbm>>
      %dma_wait3A_229 = arith.constant 0 : i32
      %dma_wait3A_230 = arith.constant 0 : i32
      %dma_wait3A_231 = tpu.memref_slice %arg9[%run_scoped3A_204, %dma_wait3A_229, %dma_wait3A_230] : memref<2x64x768xf32, #tpu.memory_space<vmem>> -> memref<1x64x768xf32, #tpu.memory_space<vmem>>
      %dma_wait3A_232 = tpu.memref_squeeze %dma_wait3A_231 : memref<1x64x768xf32, #tpu.memory_space<vmem>> -> memref<64x768xf32, #tpu.memory_space<vmem>>
      tpu.wait_dma2 semaphore(%run_scoped3A_208 : memref<!tpu.dma_semaphore, #tpu.memory_space<semaphore_mem>>) src(%dma_wait3A_232 : memref<64x768xf32, #tpu.memory_space<vmem>>) dst(%dma_wait3A_228 : memref<64x768xf32, #tpu.memory_space<hbm>>)
      tpu.yield
    }) : () -> ()
    %dma_wait3A_205 = arith.constant 0 : i32
    %dma_wait3A_206 = arith.constant 0 : i32
    %dma_wait3A_207 = tpu.memref_slice %arg3[%dma_wait3A_205, %dma_wait3A_206] : memref<100x768xf32, #tpu.memory_space<hbm>> -> memref<100x768xf32, #tpu.memory_space<hbm>>
    tpu.wait_indirect_dma semaphore(%arg14 : memref<!tpu.dma_semaphore, #tpu.memory_space<semaphore_mem>>) src(%dma_wait3A_207 : memref<100x768xf32, #tpu.memory_space<hbm>>) dst(%arg11 : memref<24x768xf32, #tpu.memory_space<vmem>>)
    "tpu.region"() ({
      %run_scoped3A_208 = tpu.sem_alloc : memref<!tpu.dma_semaphore, #tpu.memory_space<semaphore_mem>>
      %dma_start3A_209 = arith.constant 0 : i32
      %dma_start3A_210 = tpu.memref_slice %arg7[%mul3A_20, %dma_start3A_209] : memref<768x768xf32, #tpu.memory_space<hbm>> -> memref<24x768xf32, #tpu.memory_space<hbm>>
      %dma_start3A_211 = arith.constant 0 : i32
      %dma_start3A_212 = tpu.memref_slice %arg7[%mul3A_20, %dma_start3A_211] : memref<768x768xf32, #tpu.memory_space<hbm>> -> memref<24x768xf32, #tpu.memory_space<hbm>>
      tpu.enqueue_dma source(%arg11 : memref<24x768xf32, #tpu.memory_space<vmem>>) target(%dma_start3A_212 : memref<24x768xf32, #tpu.memory_space<hbm>>) target_semaphore(%run_scoped3A_208 : memref<!tpu.dma_semaphore, #tpu.memory_space<semaphore_mem>>)
      %dma_wait3A_213 = arith.constant 0 : i32
      %dma_wait3A_214 = tpu.memref_slice %arg7[%mul3A_20, %dma_wait3A_213] : memref<768x768xf32, #tpu.memory_space<hbm>> -> memref<24x768xf32, #tpu.memory_space<hbm>>
      %dma_wait3A_215 = arith.constant 0 : i32
      %dma_wait3A_216 = tpu.memref_slice %arg7[%mul3A_20, %dma_wait3A_215] : memref<768x768xf32, #tpu.memory_space<hbm>> -> memref<24x768xf32, #tpu.memory_space<hbm>>
      tpu.wait_dma2 semaphore(%run_scoped3A_208 : memref<!tpu.dma_semaphore, #tpu.memory_space<semaphore_mem>>) src(%arg11 : memref<24x768xf32, #tpu.memory_space<vmem>>) dst(%dma_wait3A_216 : memref<24x768xf32, #tpu.memory_space<hbm>>)
      tpu.yield
    }) : () -> ()
    return
  }
}

module attributes {stable_mosaic.version = 14 : i64} {
  func.func @_tc_ln_body_first(%arg0: i32, %arg1: memref<512x768xf32, #tpu.memory_space<vmem>>, %arg2: memref<24x768xf32, #tpu.memory_space<vmem>>, %arg3: memref<512x768xf32, #tpu.memory_space<vmem>>, %arg4: memref<1x768xf32, #tpu.memory_space<vmem>>, %arg5: memref<1x768xf32, #tpu.memory_space<vmem>>, %arg6: memref<1x768xf32, #tpu.memory_space<vmem>>, %arg7: memref<512x768xf32, #tpu.memory_space<vmem>>) attributes {dimension_semantics = [#tpu.dimension_semantics<arbitrary>], iteration_bounds = array<i64: 32>, scalar_prefetch = 0 : i64, scratch_operands = 0 : i64, tpu.core_type = #tpu.core_type<tc>, window_params = [{transform_indices = @transform_0, window_bounds = array<i64: 512, 768>}, {transform_indices = @transform_1, window_bounds = array<i64: 24, 768>}, {pipeline_mode = #tpu.pipeline_mode<synchronous>, transform_indices = @transform_2, window_bounds = array<i64: 512, 768>}, {pipeline_mode = #tpu.pipeline_mode<synchronous>, transform_indices = @transform_3, window_bounds = array<i64: 1, 768>}, {pipeline_mode = #tpu.pipeline_mode<synchronous>, transform_indices = @transform_4, window_bounds = array<i64: 1, 768>}, {pipeline_mode = #tpu.pipeline_mode<synchronous>, transform_indices = @transform_5, window_bounds = array<i64: 1, 768>}, {transform_indices = @transform_6, window_bounds = array<i64: 512, 768>}]} {
    %get3A = arith.constant 0 : index
    %get3A_0 = arith.constant 0 : index
    %get3A_1 = vector.load %arg1[%get3A, %get3A_0] : memref<512x768xf32, #tpu.memory_space<vmem>>, vector<512x768xf32>
    %get3A_2 = arith.constant 0 : index
    %get3A_3 = arith.constant 0 : index
    %get3A_4 = vector.load %arg2[%get3A_2, %get3A_3] : memref<24x768xf32, #tpu.memory_space<vmem>>, vector<24x768xf32>
    %slice3A = vector.extract_strided_slice %get3A_4 {offsets = [0, 0], sizes = [20, 768], strides = [1, 1]} : vector<24x768xf32> to vector<20x768xf32>
    %jit3A = arith.constant 0 : i32
    %convert_element_type3A = arith.sitofp %jit3A : i32 to f32
    %pad3A = vector.broadcast %convert_element_type3A : f32 to vector<1x768xf32>
    %pad3A_5 = tpu.concatenate %pad3A, %slice3A in 0 : vector<1x768xf32>, vector<20x768xf32> -> vector<21x768xf32>
    %pad3A_6 = vector.broadcast %convert_element_type3A : f32 to vector<491x768xf32>
    %pad3A_7 = tpu.concatenate %pad3A_5, %pad3A_6 in 0 : vector<21x768xf32>, vector<491x768xf32> -> vector<512x768xf32>
    %iota3A = tpu.iota {dimensions = array<i32: 0>} : vector<512x1xi32>
    %ge3A = arith.constant 1 : i32
    %ge3A_8 = vector.broadcast %ge3A : i32 to vector<512x1xi32>
    %ge3A_9 = arith.cmpi sge, %iota3A, %ge3A_8 : vector<512x1xi32>
    %le3A = arith.constant 20 : i32
    %le3A_10 = vector.broadcast %le3A : i32 to vector<512x1xi32>
    %le3A_11 = arith.cmpi sle, %iota3A, %le3A_10 : vector<512x1xi32>
    %and3A = arith.andi %ge3A_9, %le3A_11 : vector<512x1xi1>
    %broadcast_in_dim3A = vector.shape_cast %and3A : vector<512x1xi1> to vector<512x1xi1>
    %broadcast_in_dim3A_12 = vector.broadcast %broadcast_in_dim3A : vector<512x1xi1> to vector<512x768xi1>
    %select_n3A = arith.select %broadcast_in_dim3A_12, %pad3A_7, %get3A_1 : vector<512x768xi1>, vector<512x768xf32>
    %get3A_13 = arith.constant 0 : index
    %get3A_14 = arith.constant 0 : index
    %get3A_15 = vector.load %arg3[%get3A_13, %get3A_14] : memref<512x768xf32, #tpu.memory_space<vmem>>, vector<512x768xf32>
    %add3A = arith.addf %select_n3A, %get3A_15 : vector<512x768xf32>
    %get3A_16 = arith.constant 0 : index
    %get3A_17 = arith.constant 0 : index
    %get3A_18 = vector.load %arg4[%get3A_16, %get3A_17] : memref<1x768xf32, #tpu.memory_space<vmem>>, vector<1x768xf32>
    %add3A_19 = vector.broadcast %get3A_18 : vector<1x768xf32> to vector<512x768xf32>
    %add3A_20 = arith.addf %add3A, %add3A_19 : vector<512x768xf32>
    %reduce_sum3A = arith.constant dense<0.000000e+00> : vector<512xf32>
    %reduce_sum3A_21 = vector.multi_reduction <add>, %add3A_20, %reduce_sum3A [1] : vector<512x768xf32> to vector<512xf32>
    %broadcast_in_dim3A_22 = vector.shape_cast %reduce_sum3A_21 : vector<512xf32> to vector<512x1xf32>
    %div3A = arith.constant 7.680000e+02 : f32
    %div3A_23 = vector.broadcast %div3A : f32 to vector<512x1xf32>
    %div3A_24 = arith.divf %broadcast_in_dim3A_22, %div3A_23 : vector<512x1xf32>
    %sub3A = vector.broadcast %div3A_24 : vector<512x1xf32> to vector<512x768xf32>
    %sub3A_25 = arith.subf %add3A_20, %sub3A : vector<512x768xf32>
    %mul3A = arith.mulf %sub3A_25, %sub3A_25 : vector<512x768xf32>
    %reduce_sum3A_26 = arith.constant dense<0.000000e+00> : vector<512xf32>
    %reduce_sum3A_27 = vector.multi_reduction <add>, %mul3A, %reduce_sum3A_26 [1] : vector<512x768xf32> to vector<512xf32>
    %broadcast_in_dim3A_28 = vector.shape_cast %reduce_sum3A_27 : vector<512xf32> to vector<512x1xf32>
    %div3A_29 = arith.constant 7.680000e+02 : f32
    %div3A_30 = vector.broadcast %div3A_29 : f32 to vector<512x1xf32>
    %div3A_31 = arith.divf %broadcast_in_dim3A_28, %div3A_30 : vector<512x1xf32>
    %add3A_32 = arith.constant 9.99999996E-13 : f32
    %add3A_33 = vector.broadcast %add3A_32 : f32 to vector<512x1xf32>
    %add3A_34 = arith.addf %div3A_31, %add3A_33 : vector<512x1xf32>
    %rsqrt3A = math.rsqrt %add3A_34 : vector<512x1xf32>
    %mul3A_35 = vector.broadcast %rsqrt3A : vector<512x1xf32> to vector<512x768xf32>
    %mul3A_36 = arith.mulf %sub3A_25, %mul3A_35 : vector<512x768xf32>
    %get3A_37 = arith.constant 0 : index
    %get3A_38 = arith.constant 0 : index
    %get3A_39 = vector.load %arg5[%get3A_37, %get3A_38] : memref<1x768xf32, #tpu.memory_space<vmem>>, vector<1x768xf32>
    %mul3A_40 = vector.broadcast %get3A_39 : vector<1x768xf32> to vector<512x768xf32>
    %mul3A_41 = arith.mulf %mul3A_36, %mul3A_40 : vector<512x768xf32>
    %get3A_42 = arith.constant 0 : index
    %get3A_43 = arith.constant 0 : index
    %get3A_44 = vector.load %arg6[%get3A_42, %get3A_43] : memref<1x768xf32, #tpu.memory_space<vmem>>, vector<1x768xf32>
    %add3A_45 = vector.broadcast %get3A_44 : vector<1x768xf32> to vector<512x768xf32>
    %add3A_46 = arith.addf %mul3A_41, %add3A_45 : vector<512x768xf32>
    %swap3A = arith.constant 0 : index
    %swap3A_47 = arith.constant 0 : index
    %swap3A_48 = vector.load %arg7[%swap3A, %swap3A_47] : memref<512x768xf32, #tpu.memory_space<vmem>>, vector<512x768xf32>
    tpu.vector_store %arg7[%swap3A, %swap3A_47], %add3A_46 {strides = array<i32>} : memref<512x768xf32, #tpu.memory_space<vmem>>, vector<512x768xf32>,
    return
  }
  func.func @transform_0(%arg0: i32) -> (i32, i32) {
    %c0_i32 = arith.constant 0 : i32
    %c0_i32_0 = arith.constant 0 : i32
    return %arg0, %c0_i32 : i32, i32
  }
  func.func @transform_1(%arg0: i32) -> (i32, i32) {
    %c0_i32 = arith.constant 0 : i32
    %c0_i32_0 = arith.constant 0 : i32
    return %arg0, %c0_i32 : i32, i32
  }
  func.func @transform_2(%arg0: i32) -> (i32, i32) {
    %c0_i32 = arith.constant 0 : i32
    %c0_i32_0 = arith.constant 0 : i32
    %c0_i32_1 = arith.constant 0 : i32
    return %c0_i32, %c0_i32_0 : i32, i32
  }
  func.func @transform_3(%arg0: i32) -> (i32, i32) {
    %c0_i32 = arith.constant 0 : i32
    %c0_i32_0 = arith.constant 0 : i32
    %c0_i32_1 = arith.constant 0 : i32
    return %c0_i32, %c0_i32_0 : i32, i32
  }
  func.func @transform_4(%arg0: i32) -> (i32, i32) {
    %c0_i32 = arith.constant 0 : i32
    %c0_i32_0 = arith.constant 0 : i32
    %c0_i32_1 = arith.constant 0 : i32
    return %c0_i32, %c0_i32_0 : i32, i32
  }
  func.func @transform_5(%arg0: i32) -> (i32, i32) {
    %c0_i32 = arith.constant 0 : i32
    %c0_i32_0 = arith.constant 0 : i32
    %c0_i32_1 = arith.constant 0 : i32
    return %c0_i32, %c0_i32_0 : i32, i32
  }
  func.func @transform_6(%arg0: i32) -> (i32, i32) {
    %add3A = arith.constant 0 : i32
    %add3A_0 = arith.addi %add3A, %arg0 : i32
    %c0_i32 = arith.constant 0 : i32
    %c0_i32_1 = arith.constant 0 : i32
    return %add3A_0, %c0_i32 : i32, i32
  }
}

</mosaic_0001>

<sc_bundles>
// kernel: kernel.4.cloned.1.call-start
scs
__scs_entry_jumppad:
0x0: {  	(pc) =	sbr.rel $0x88, $3  }
0x1: {  	(tag) =	ssettag $0x0;
	lr =	simm.s32 $0x1  }
0x2: {  	[smem:$0x3F99] =	sst lr;
	_ =	strace $0xD0000000  }
0x3: {  	_ = 	snop  }
0x4: {  	_ = 	snop  }
0x5: {  	_ = 	snop  }
0x6: {  	_ = 	snop  }
0x7: {  	_ = 	snop  }
__scs_overlays_trampoline_lowered:
0x8: {  	[smem:$0x3FA8] =	sst s0  }
0x9: {  	[smem:$0x3FA9] =	sst s1  }
0xa: {  	[smem:$0x3FAA] =	sst s2  }
0xb: {  	[smem:$0x3FAB] =	sst s3  }
0xc: {  	[smem:$0x3FAC] =	sst s4  }
0xd: {  	[smem:$0x3FAD] =	sst s5  }
0xe: {  	[smem:$0x3FAE] =	sst s6  }
0xf: {  	[smem:$0x3FAF] =	sst s7  }
0x10: {  	[smem:$0x3FB0] =	sst s8  }
0x11: {  	[smem:$0x3FB1] =	sst s9;
	s0 =	simm.s32 @!p0 $0x0  }
0x12: {  	s1 =	sld [smem:$0x3F97];
	s0 =	simm.s32 @p0 $0x1  }
0x13: {  	[smem:$0x3FB2] =	sst s0;
	s0 =	simm.s32 @!p1 $0x0  }
0x14: {  	s2 =	sld [smem:$0x3F96];
	s0 =	simm.s32 @p1 $0x1  }
0x15: {  	[smem:$0x3FB3] =	sst s0;
	s0 =	simm.s32 @!p2 $0x0  }
0x16: {  	s3 =	sld [smem:$0x3FDB];
	s0 =	simm.s32 @p2 $0x1  }
0x17: {  	s4 =	simm.s32 $0x1BF5;
	[smem:$0x3FB5] =	sst s0  }
0x18: {  	s0 =	sld [smem:$0x3F98];
	_ =	swait.ge [sflag:s4], $0x0  }
0x19: {  	s7 =	sld [smem:$0x3F99]  }
0x1a: {  	s8 =	sadd.s32 $0xFFFFE003, lr  }
0x1b: {  	s9 =	sadd.s32 $0xFFFFFEF7, lr;
	s5 =	simm.s32 $0xFFFFFFFF;
	p2 =	slt.u32 s8, $0xFFFFF086  }
0x1c: {  	p1 =	slt.u32 s9, $0xF7A;
	s5 =	simm.s32 @!p2 $0x0  }
0x1d: {  	s5 =	simm.s32 @p1 $0x1;
	p0 =	seq.s32 s7, s2  }
0x1e: {  	s7 =	smul.u32 @!p0 $0xF7A, s2;
	p2 =	seq.s32 @!p0 s5, $0x0  }
0x1f: {  	s9 =	smul.u32 $0xF7A, s1;
	s8 =	simm.s32 @!p0 $0x1BF5;
	p2 =	por !p2, p0  }
0x20: {  	[sflag:s8] =	ssyncset.s32 @!p0 $0xFFFFF086;
	s6 =	sadd.s32 @!p0 s3, s7;
	s7 =	simm.s32 @!p0 $0x108  }
0x21: {  	s3 =	sadd.s32 s3, s9;
	s6 =	sadd.s32 @!p0 $0x88, s6;
	s7 =	simm.s32 @p2 $0x1082  }
0x22: {  	[simem:s7], [sflag:s8] =	dma.local @!p0 [hbm:s6], $0xF7A  }
0x23: {  	s9 =	sor.u32 $0xD0000000, s2;
	s6 =	simm.s32 $0x108;
	_ =	swait.ge @!p0 [sflag:s8], $0x0  }
0x24: {  	s3 =	sadd.s32 $0x88, s3;
	s6 =	simm.s32 @!p1 $0x1082;
	[sflag:s4] =	ssyncset.s32 $0xFFFFF086  }
0x25: {  	[simem:s6], [sflag:s4] =	dma.local [hbm:s3], $0xF7A  }
0x26: {  	[smem:$0x3F99] =	sst s1;
	(tag) =	ssettag s2;
	_ =	strace s9  }
0x27: {  	s1 =	sld [smem:$0x3FA9]  }
0x28: {  	s2 =	sld [smem:$0x3FAA]  }
0x29: {  	s4 =	sld [smem:$0x3FAC]  }
0x2a: {  	p0 =	seq.s32 s5, $0x0;
	s5 =	sld [smem:$0x3FAD]  }
0x2b: {  	s6 =	sld [smem:$0x3FAE]  }
0x2c: {  	s7 =	sld [smem:$0x3FAF]  }
0x2d: {  	s3 =	simm.s32 $0x108;
	s8 =	sld [smem:$0x3FB0]  }
0x2e: {  	s3 =	simm.s32 @!p0 $0x1082;
	s9 =	sld [smem:$0x3FB1]  }
0x2f: {  	lr =	sadd.s32 s0, s3;
	s0 =	sld [smem:$0x3FA8]  }
0x30: {  	s3 =	sld [smem:$0x3FAB]  }
0x31: {  	[smem:$0x3FB4] =	sst s10  }
0x32: {  	s10 =	sld [smem:$0x3FB2];
	_ =	sdelay $0x3  }
0x33: {  	p0 =	seq.s32 s10, $0x1;
	s10 =	sld [smem:$0x3FB4];
	_ =	sdelay $0x3  }
0x34: {  	[smem:$0x3FB4] =	sst s10  }
0x35: {  	s10 =	sld [smem:$0x3FB3];
	_ =	sdelay $0x3  }
0x36: {  	p1 =	seq.s32 s10, $0x1;
	s10 =	sld [smem:$0x3FB4];
	_ =	sdelay $0x3  }
0x37: {  	[smem:$0x3FB4] =	sst s10  }
0x38: {  	s10 =	sld [smem:$0x3FB5]  }
0x39: {  	_ = 	snop;
	(pc) =	sbr.ind lr, $3  }
0x3a: {  	_ = 	snop  }
0x3b: {  	_ = 	snop  }
0x3c: {  	p2 =	seq.s32 s10, $0x1;
	s10 =	sld [smem:$0x3FB4]  }
0x3d: {  	_ =	shalt  }
0x3e: {  	_ =	shalt  }
0x3f: {  	_ =	shalt  }
0x40: {  	_ =	shalt  }
0x41: {  	_ =	shalt  }
0x42: {  	_ =	shalt  }
0x43: {  	_ =	shalt  }
0x44: {  	_ =	shalt  }
0x45: {  	_ =	shalt  }
0x46: {  	_ =	shalt  }
0x47: {  	_ =	shalt  }
0x48: {  	_ =	shalt  }
0x49: {  	_ =	shalt  }
0x4a: {  	_ =	shalt  }
0x4b: {  	_ =	shalt  }
0x4c: {  	_ =	shalt  }
0x4d: {  	_ =	shalt  }
0x4e: {  	_ =	shalt  }
0x4f: {  	_ =	shalt  }
0x50: {  	_ =	shalt  }
0x51: {  	_ =	shalt  }
0x52: {  	_ =	shalt  }
0x53: {  	_ =	shalt  }
0x54: {  	_ =	shalt  }
0x55: {  	_ =	shalt  }
0x56: {  	_ =	shalt  }
0x57: {  	_ =	shalt  }
0x58: {  	_ =	shalt  }
0x59: {  	_ =	shalt  }
0x5a: {  	_ =	shalt  }
0x5b: {  	_ =	shalt  }
0x5c: {  	_ =	shalt  }
0x5d: {  	_ =	shalt  }
0x5e: {  	_ =	shalt  }
0x5f: {  	_ =	shalt  }
0x60: {  	_ =	shalt  }
0x61: {  	_ =	shalt  }
0x62: {  	_ =	shalt  }
0x63: {  	_ =	shalt  }
0x64: {  	_ =	shalt  }
0x65: {  	_ =	shalt  }
0x66: {  	_ =	shalt  }
0x67: {  	_ =	shalt  }
0x68: {  	_ =	shalt  }
0x69: {  	_ =	shalt  }
0x6a: {  	_ =	shalt  }
0x6b: {  	_ =	shalt  }
0x6c: {  	_ =	shalt  }
0x6d: {  	_ =	shalt  }
0x6e: {  	_ =	shalt  }
0x6f: {  	_ =	shalt  }
0x70: {  	_ =	shalt  }
0x71: {  	_ =	shalt  }
0x72: {  	_ =	shalt  }
0x73: {  	_ =	shalt  }
0x74: {  	_ =	shalt  }
0x75: {  	_ =	shalt  }
0x76: {  	_ =	shalt  }
0x77: {  	_ =	shalt  }
0x78: {  	_ =	shalt  }
0x79: {  	_ =	shalt  }
0x7a: {  	_ =	shalt  }
0x7b: {  	_ =	shalt  }
0x7c: {  	_ =	shalt  }
0x7d: {  	_ =	shalt  }
0x7e: {  	_ =	shalt  }
0x7f: {  	_ =	shalt  }
0x80: {  	_ =	shalt  }
0x81: {  	_ =	shalt  }
0x82: {  	_ =	shalt  }
0x83: {  	_ =	shalt  }
0x84: {  	_ =	shalt  }
0x85: {  	_ =	shalt  }
0x86: {  	_ =	shalt  }
0x87: {  	_ =	shalt  }
.Lfunc_end0:
.L_simem_size_0:
called_computation_lowered:
.L_overlay_start_0:
0x88: {  	s2 =	sld [smem:$0x3FD9]  }
0x89: {  	s3 =	sld [smem:$0x3FFE];
	_ =	sdelay $0x1  }
0x8a: {  	s1 =	srdreg.scid  }
0x8b: {  	s0 =	sand.u32 $0x1, s1  }
0x8c: {  	s17 =	sshll.u32 s0, $0xA;
	s2 =	sadd.s32 s3, s2  }
0x8d: {  	s2 =	sadd.s32 s2, s17  }
0x8e: {  	[smem:$0x3FC0] =	sst s2  }
0x8f: {  	_ = 	snop  }
0x90: {  	s2 =	sld [smem:$0x3FC7]  }
0x91: {  	s18 =	sld [smem:$0x3FC6]  }
0x92: {  	s4 =	sld [smem:$0x3FD0];
	(tm) =	ssettm $0x1  }
0x93: {  	s5 =	sld [smem:$0x3FFB];
	_ =	sdelay $0x3  }
0x94: {  	_ =	strace s5  }
0x95: {  	s5 =	sld [smem:$0x3FFC];
	_ =	sdelay $0x3  }
0x96: {  	_ =	strace s5  }
0x97: {  	s5 =	sld [smem:$0x3FFD];
	_ =	sdelay $0x3  }
0x98: {  	_ =	strace s5  }
0x99: {  	_ =	strace $0x8FFFFFFF  }
0x9a: {  	s19 =	sld [smem:$0x3FDB];
	_ =	sdelay $0x1  }
0x9b: {  	s6 =	simm.s32 $_scs_section_size  }
0x9c: {  	s7 =	simm.s32 $_size__tile_overlayer_lowered;
	s8 =	simm.s32 $_tile_overlayer_lowered  }
0x9d: {  	s22 =	simm.s32 $0x1BFF;
	s21 =	sshll.u32 s8, $0x1;
	s5 =	sadd.s32 s6, s19  }
0x9e: {  	s9 =	simm.s32 $0x0;
	s20 =	sshll.u32 s7, $0x1;
	s7 =	sadd.s32 s21, s5  }
0x9f: {  	[timem:s9], [sflag:s22] =	dma.local [hbm:s7], s20  }
0xa0: {  	_ =	swait.ge [sflag:s22], s20  }
0xa1: {  	s6 =	ssub.s32 $0x0, s20;
	[sflag:s22] =	ssyncset.done $0x0  }
0xa2: {  	[sflag:s22] =	ssyncadd.s32 s6;
	_ =	sdelay $0x1  }
0xa3: {  	s23 =	simm.s32 $0x1B8B  }
0xa4: {  	_ =	swait.ge [sflag:s23], $0x1  }
0xa5: {  	[sflag:s23] =	ssyncset.done $0x0  }
0xa6: {  	s25 =	simm.s32 $0x1B8E;
	s24 =	sld [smem:$0x3FFE];
	[sflag:s23] =	ssyncadd.s32 $0xFFFFFFFF  }
0xa7: {  	s26 =	simm.s32 $execute0_lowered;
	[smem:$0x3FD2] =	sst s25  }
0xa8: {  	s7 =	sshll.u32 s26, $0x1;
	_ =	strace $0x80000046;
	[dreg:$0x1] =	wrdreg $0xFFFFFFFF  }
0xa9: {  	s28 =	simm.s32 $_size_execute0_lowered;
	s5 =	sadd.s32 s5, s7;
	[dreg:$0x0] =	wrdreg $0x0  }
0xaa: {  	s7 =	sshll.u32 s28, $0x1;
	[dreg:$0x2] =	wrdreg s5  }
0xab: {  	[dreg:$0x3] =	wrdreg s7  }
0xac: {  	[dreg:$0x4] =	wrdreg $0xC0  }
0xad: {  	_ =	task [dreg:s9], $0x5FFFF  }
0xae: {  	[dreg:$0x1] =	wrdreg $0xFFFFFFFF  }
0xaf: {  	[dreg:$0x0] =	wrdreg $0x60  }
0xb0: {  	[dreg:$0x2] =	wrdreg s2  }
0xb1: {  	[dreg:$0x3] =	wrdreg s18  }
0xb2: {  	[dreg:$0x4] =	wrdreg s24  }
0xb3: {  	[dreg:$0x5] =	wrdreg s4  }
0xb4: {  	[dreg:$0x6] =	wrdreg $0x9  }
0xb5: {  	_ =	task.clear_ibuf [dreg:s9], $0x7FFFF;
	_ =	strace $0x90000046  }
0xb6: {  	s29 =	simm.s32 $0x9;
	_ =	strace $0x80000048  }
0xb7: {  	_ =	swait.ge [sflag:s29], $0x1  }
0xb8: {  	[sflag:s29] =	ssyncadd.s32 $0xFFFFFFFF  }
0xb9: {  	_ =	strace $0x90000048  }
0xba: {  	_ =	sfence  }
0xbb: {  	s30 =	sld [smem:$0x0];
	_ =	sdelay $0x2  }
0xbc: {  	s31 =	sshll.u32 s1, $0xD;
	s1 =	sshrl.u32 s1, $0x2  }
0xbd: {  	s3 =	sand.u32 $0x4000, s31;
	s1 =	sadd.s32 s1, s30  }
0xbe: {  	s0 =	sor.u32 s3, s0;
	s1 =	sshll.u32 s1, $0x11  }
0xbf: {  	s0 =	sor.u32 s1, s0  }
0xc0: {  	s0 =	sadd.s32 $0x8F2B, s0  }
0xc1: {  	[sflag:s0] =	ssyncadd.remote.s32 $0x1  }
0xc2: {  	_ =	sfence.sel $0xFFFF  }
0xc3: {  	[dreg:$0x0] =	wrdreg $0xFFFFFFFF;
	(pc) =	sbr.abs _section_cstart, $3  }
0xc4: {  	[dreg:$0x1] =	wrdreg $0xFFFFFFFF  }
0xc5: {  	_ =	task.clear_ibuf [dreg:s9], $0x2FFFF;
	_ =	strace $0x9FFFFFFF  }
0xc6: {  	(tm) =	ssettm $0x7FFFFFFF  }
0xc7: {  	_ =	shalt  }
tec
execute0_lowered:
.L_overlay_start_1:
0x0: {  	(tag) =	ssettag $0x1  }
0x1: {  	s1 =	rddreg [dreg:$0x0]  }
0x2: {  	s10 =	rddreg [dreg:$0x1]  }
0x3: {  	s0 =	rddreg [dreg:$0x2]  }
0x4: {  	s2 =	srdreg.scid;
	s4 =	stileid.u32  }
0x5: {  	s3 =	rddreg [dreg:$0x3];
	s5 =	sshll.u32 s4, $0x1;
	s4 =	simm.s32 $0x0  }
0x6: {  	s19 =	simm.s32 $0x18200;
	s20 =	simm.s32 $0x18A80;
	[smem:$0x7FF] =	sst s4  }
0x7: {  	s22 =	simm.s32 $0x19280;
	_ =	strace $0x80000047;
	[dreg:$0xf] =	wrdreg s19  }
0x8: {  	s23 =	simm.s32 $0x19A80;
	s25 =	simm.s32 $0x1A280;
	[dreg:$0x10] =	wrdreg s20  }
0x9: {  	s28 =	simm.s32 $0x1AA80;
	s24 =	sadd.s32 $0x100, s10;
	[dreg:$0x11] =	wrdreg s22  }
0xa: {  	s29 =	simm.s32 $0x1B280;
	s2 =	sand.u32 $0x1, s2;
	[dreg:$0x19] =	wrdreg s24  }
0xb: {  	s26 =	sadd.s32 $0x200, s10;
	s5 =	sor.u32 s2, s5;
	[dreg:$0x12] =	wrdreg s23  }
0xc: {  	s30 =	simm.s32 $0x1BA80;
	s6 =	smul.u32 $0x3, s5;
	[dreg:$0x1a] =	wrdreg s26  }
0xd: {  	s31 =	simm.s32 $0x1C280;
	s8 =	smul.u32 $0xC000, s5;
	[dreg:$0x13] =	wrdreg s25  }
0xe: {  	s2 =	ssub.s32 $0x2, s2;
	s9 =	smul.u32 $0x60000, s5;
	[dreg:$0x14] =	wrdreg s28  }
0xf: {  	s7 =	sshll.u32 s5, $0x6;
	s5 =	smul.u32 $0x900, s5;
	[dreg:$0x15] =	wrdreg s29  }
0x10: {  	s21 =	sshrl.u32 s2, $0x1;
	[dreg:$0x16] =	wrdreg s30;
	s7 =	sadd.s32 s7, s0  }
0x11: {  	[dreg:$0x17] =	wrdreg s31;
	s19 =	simm.s32 $0x2;
	s7 =	sadd.s32 $0x1400, s7  }
0x12: {  	s6 =	sadd.s32 s6, s0;
	s18 =	sadd.s32 s3, s5;
	[dreg:$0x5] =	wrdreg s7  }
0x13: {  	s0 =	sadd.s32 $0x1C00, s0;
	s6 =	sadd.s32 $0x1200, s6;
	[dreg:$0xe] =	wrdreg s18  }
0x14: {  	s26 =	simm.s32 $0x200;
	s8 =	sadd.s32 s0, s8;
	[dreg:$0x6] =	wrdreg s6  }
0x15: {  	s12 =	sshrl.u32 s9, $0x3;
	s11 =	sadd.s32 $0x1800, s8;
	[dreg:$0x18] =	wrdreg s8  }
0x16: {  	s0 =	sadd.s32 s0, s12;
	s13 =	sadd.s32 $0x3000, s8;
	[dreg:$0x7] =	wrdreg s11  }
0x17: {  	s25 =	simm.s32 $0xC200;
	s14 =	sadd.s32 $0x4800, s0;
	[dreg:$0x8] =	wrdreg s13  }
0x18: {  	s2 =	ssub.s32 s2, s21;
	s15 =	sadd.s32 $0x6000, s0;
	[dreg:$0x9] =	wrdreg s14  }
0x19: {  	s9 =	sadd.s32 $0x200, s1;
	s16 =	sadd.s32 $0x7800, s0;
	[dreg:$0xa] =	wrdreg s15  }
0x1a: {  	v2 =	vlaneseq.u32;
	s10 =	smax.u32 s2, $0x1;
	s17 =	sadd.s32 $0x9000, s0;
	[dreg:$0xb] =	wrdreg s16  }
0x1b: {  	vm0 =	vmmov $0xffff;
	v1 =	vshrl.u32 v2, $0x3;
	s18 =	simm.s32 $0x1;
	s0 =	sadd.s32 $0xA800, s0;
	[dreg:$0xc] =	wrdreg s17  }
0x1c: {  	v0 =	vand.u32 $0x7, v2;
	v2 =	vor.u32 $0x8, v2;
	v1 =	vmul.u32 $0x8, v1;
	s8 =	sadd.s32 $0x100, s1;
	[dreg:$0xd] =	wrdreg s0;
	s11 =	simm.s32 $0x4  }
.LBB2_1:
0x1d: {  	s20 =	rddreg [dreg:$0x5]  }
0x1e: {  	[tilespmem:s4], [sflag:$0x4] =	stream.linear.gather [hbm4b:s20+s4], $0x200, $0x38;
	[tilespmem:$0x1CA80] =	vst v63  }
0x1f: {  	_ =	swait.ge [sflag:s11], $0x200  }
0x20: {  	s30 =	rddreg [dreg:$0x6];
	[sflag:s11] =	ssyncset.done $0x0  }
0x21: {  	s21 =	rddreg [dreg:$0xf];
	[sflag:s11] =	ssyncadd.s32 $0xFFFFFE00  }
0x22: {  	[tilespmem:s21], [sflag:$0x4] =	stream.linear.gather [hbm4b:s30+s4], $0x18, $0x38;
	[tilespmem:$0x1CA80] =	vst v63  }
0x23: {  	_ =	swait.ge [sflag:s11], $0x18  }
0x24: {  	[sflag:s11] =	ssyncset.done $0x0  }
0x25: {  	[sflag:s11] =	ssyncadd.s32 $0xFFFFFFE8  }
0x26: {  	v3 =	vld [tilespmem:$0x18200];
	_ =	sdelay $0x4  }
0x27: {  	v4 =	vshrl.u32 v3, $0x3  }
0x28: {  	v4 =	vmul.u32 $0x30, v4  }
0x29: {  	v3 =	vand.u32 $0x7, v3  }
0x2a: {  	v3 =	vor.u32 v3, v4  }
0x2b: {  	v4 =	vperm.xlane v3, v0;
	_ =	sdelay $0x1  }
0x2c: {  	v4 =	vadd.s32 v1, v4;
	_ =	sdelay $0x1  }
0x2d: {  	s31 =	rddreg [dreg:$0x10]  }
0x2e: {  	s3 =	rddreg [dreg:$0x19]  }
0x2f: {  	s0 =	simm.s32 $0x18280;
	s22 =	rddreg [dreg:$0x1];
	v3 =	vperm.xlane v3, v2  }
0x30: {  	[tilespmem:s0], [sflag:$0x3] =	stream.indirect_vreg.gather [hbm4b:s22+s4], $0x80, v4, vm0, $0xb8;
	[tilespmem:$0x1CA80] =	vst v63  }
0x31: {  	s2 =	rddreg [dreg:$0x1a];
	v3 =	vadd.s32 v1, v3  }
0x32: {  	[tilespmem:s31], [sflag:$0x3] =	stream.indirect_vreg.gather [hbm4b:s3+s4], $0x80, v4, vm0, $0xb8;
	[tilespmem:$0x1CA80] =	vst v63  }
0x33: {  	s0 =	rddreg [dreg:$0x11]  }
0x34: {  	[tilespmem:s0], [sflag:$0x3] =	stream.indirect_vreg.gather [hbm4b:s2+s4], $0x80, v4, vm0, $0xb8;
	[tilespmem:$0x1CA80] =	vst v63  }
0x35: {  	s5 =	rddreg [dreg:$0x12]  }
0x36: {  	[tilespmem:s5], [sflag:$0x3] =	stream.indirect_vreg.gather [hbm4b:s22+s4], $0x80, v3, vm0, $0xb8;
	[tilespmem:$0x1CA80] =	vst v63  }
0x37: {  	s6 =	rddreg [dreg:$0x13]  }
0x38: {  	[tilespmem:s6], [sflag:$0x3] =	stream.indirect_vreg.gather [hbm4b:s3+s4], $0x80, v3, vm0, $0xb8;
	[tilespmem:$0x1CA80] =	vst v63  }
0x39: {  	s7 =	rddreg [dreg:$0x14]  }
0x3a: {  	[tilespmem:s7], [sflag:$0x3] =	stream.indirect_vreg.gather [hbm4b:s2+s4], $0x80, v3, vm0, $0xb8;
	[tilespmem:$0x1CA80] =	vst v63  }
0x3b: {  	v3 =	vld.msk [tilespmem:$0x18210], $0xff;
	_ =	sdelay $0x4  }
0x3c: {  	v31 =	vshrl.u32 v3, $0x3  }
0x3d: {  	v4 =	vmul.u32 $0x30, v31  }
0x3e: {  	v3 =	vand.u32 $0x7, v3  }
0x3f: {  	v3 =	vor.u32 v3, v4  }
0x40: {  	v3 =	vperm.xlane v3, v0;
	_ =	sdelay $0x1  }
0x41: {  	v3 =	vadd.s32 v1, v3;
	_ =	sdelay $0x3  }
0x42: {  	s12 =	rddreg [dreg:$0x15]  }
0x43: {  	[tilespmem:s12], [sflag:$0x3] =	stream.indirect_vreg.gather [hbm4b:s22+s4], $0x80, v3, vm0, $0xb8;
	[tilespmem:$0x1CA80] =	vst v63  }
0x44: {  	s13 =	rddreg [dreg:$0x16]  }
0x45: {  	[tilespmem:s13], [sflag:$0x3] =	stream.indirect_vreg.gather [hbm4b:s3+s4], $0x80, v3, vm0, $0xb8;
	[tilespmem:$0x1CA80] =	vst v63  }
0x46: {  	s14 =	rddreg [dreg:$0x17]  }
0x47: {  	[tilespmem:s14], [sflag:$0x3] =	stream.indirect_vreg.gather [hbm4b:s2+s4], $0x80, v3, vm0, $0xb8;
	[tilespmem:$0x1CA80] =	vst v63  }
0x48: {  	v3 =	vld [tilespmem:$0x0];
	_ =	sdelay $0x4  }
0x49: {  	v32 =	vshrl.u32 v3, $0x3  }
0x4a: {  	v4 =	vmul.u32 $0x30, v32  }
0x4b: {  	v3 =	vand.u32 $0x7, v3  }
0x4c: {  	v3 =	vor.u32 v3, v4  }
0x4d: {  	v4 =	vperm.xlane v3, v0;
	_ =	sdelay $0x1  }
0x4e: {  	v4 =	vadd.s32 v1, v4;
	_ =	sdelay $0x3  }
0x4f: {  	v3 =	vperm.xlane v3, v2  }
0x50: {  	[tilespmem:s26], [sflag:$0x1] =	stream.indirect_vreg.gather [hbm4b:s1+s4], $0x80, v4, vm0, $0xb8;
	[tilespmem:$0x1CA80] =	vst v63  }
0x51: {  	s15 =	simm.s32 $0xA00;
	v3 =	vadd.s32 v1, v3  }
0x52: {  	[tilespmem:s15], [sflag:$0x1] =	stream.indirect_vreg.gather [hbm4b:s8+s4], $0x80, v4, vm0, $0xb8;
	[tilespmem:$0x1CA80] =	vst v63  }
0x53: {  	s16 =	simm.s32 $0x1200  }
0x54: {  	[tilespmem:s16], [sflag:$0x1] =	stream.indirect_vreg.gather [hbm4b:s9+s4], $0x80, v4, vm0, $0xb8;
	[tilespmem:$0x1CA80] =	vst v63  }
0x55: {  	s17 =	simm.s32 $0x1A00  }
0x56: {  	[tilespmem:s17], [sflag:$0x1] =	stream.indirect_vreg.gather [hbm4b:s1+s4], $0x80, v3, vm0, $0xb8;
	[tilespmem:$0x1CA80] =	vst v63  }
0x57: {  	s20 =	simm.s32 $0x2200  }
0x58: {  	[tilespmem:s20], [sflag:$0x1] =	stream.indirect_vreg.gather [hbm4b:s8+s4], $0x80, v3, vm0, $0xb8;
	[tilespmem:$0x1CA80] =	vst v63  }
0x59: {  	s21 =	simm.s32 $0x2A00  }
0x5a: {  	[tilespmem:s21], [sflag:$0x1] =	stream.indirect_vreg.gather [hbm4b:s9+s4], $0x80, v3, vm0, $0xb8;
	[tilespmem:$0x1CA80] =	vst v63  }
0x5b: {  	v3 =	vld [tilespmem:$0x10];
	_ =	sdelay $0x4  }
0x5c: {  	v33 =	vshrl.u32 v3, $0x3  }
0x5d: {  	v4 =	vmul.u32 $0x30, v33  }
0x5e: {  	v3 =	vand.u32 $0x7, v3  }
0x5f: {  	v3 =	vor.u32 v3, v4  }
0x60: {  	v4 =	vperm.xlane v3, v0;
	_ =	sdelay $0x1  }
0x61: {  	v4 =	vadd.s32 v1, v4;
	_ =	sdelay $0x3  }
0x62: {  	s22 =	simm.s32 $0x3200;
	v3 =	vperm.xlane v3, v2  }
0x63: {  	[tilespmem:s22], [sflag:$0x1] =	stream.indirect_vreg.gather [hbm4b:s1+s4], $0x80, v4, vm0, $0xb8;
	[tilespmem:$0x1CA80] =	vst v63  }
0x64: {  	s23 =	simm.s32 $0x3A00;
	v3 =	vadd.s32 v1, v3  }
0x65: {  	[tilespmem:s23], [sflag:$0x1] =	stream.indirect_vreg.gather [hbm4b:s8+s4], $0x80, v4, vm0, $0xb8;
	[tilespmem:$0x1CA80] =	vst v63  }
0x66: {  	s24 =	simm.s32 $0x4200  }
0x67: {  	[tilespmem:s24], [sflag:$0x1] =	stream.indirect_vreg.gather [hbm4b:s9+s4], $0x80, v4, vm0, $0xb8;
	[tilespmem:$0x1CA80] =	vst v63  }
0x68: {  	s28 =	simm.s32 $0x4A00  }
0x69: {  	[tilespmem:s28], [sflag:$0x1] =	stream.indirect_vreg.gather [hbm4b:s1+s4], $0x80, v3, vm0, $0xb8;
	[tilespmem:$0x1CA80] =	vst v63  }
0x6a: {  	s29 =	simm.s32 $0x5200  }
0x6b: {  	[tilespmem:s29], [sflag:$0x1] =	stream.indirect_vreg.gather [hbm4b:s8+s4], $0x80, v3, vm0, $0xb8;
	[tilespmem:$0x1CA80] =	vst v63  }
0x6c: {  	s30 =	simm.s32 $0x5A00  }
0x6d: {  	[tilespmem:s30], [sflag:$0x1] =	stream.indirect_vreg.gather [hbm4b:s9+s4], $0x80, v3, vm0, $0xb8;
	[tilespmem:$0x1CA80] =	vst v63  }
0x6e: {  	v3 =	vld [tilespmem:$0x20];
	_ =	sdelay $0x4  }
0x6f: {  	v34 =	vshrl.u32 v3, $0x3  }
0x70: {  	v4 =	vmul.u32 $0x30, v34  }
0x71: {  	v3 =	vand.u32 $0x7, v3  }
0x72: {  	v3 =	vor.u32 v3, v4  }
0x73: {  	v4 =	vperm.xlane v3, v0;
	_ =	sdelay $0x1  }
0x74: {  	v4 =	vadd.s32 v1, v4;
	_ =	sdelay $0x3  }
0x75: {  	s31 =	simm.s32 $0x6200;
	v3 =	vperm.xlane v3, v2  }
0x76: {  	[tilespmem:s31], [sflag:$0x1] =	stream.indirect_vreg.gather [hbm4b:s1+s4], $0x80, v4, vm0, $0xb8;
	[tilespmem:$0x1CA80] =	vst v63  }
0x77: {  	s2 =	simm.s32 $0x6A00;
	v3 =	vadd.s32 v1, v3  }
0x78: {  	[tilespmem:s2], [sflag:$0x1] =	stream.indirect_vreg.gather [hbm4b:s8+s4], $0x80, v4, vm0, $0xb8;
	[tilespmem:$0x1CA80] =	vst v63  }
0x79: {  	s3 =	simm.s32 $0x7200  }
0x7a: {  	[tilespmem:s3], [sflag:$0x1] =	stream.indirect_vreg.gather [hbm4b:s9+s4], $0x80, v4, vm0, $0xb8;
	[tilespmem:$0x1CA80] =	vst v63  }
0x7b: {  	s5 =	simm.s32 $0x7A00  }
0x7c: {  	[tilespmem:s5], [sflag:$0x1] =	stream.indirect_vreg.gather [hbm4b:s1+s4], $0x80, v3, vm0, $0xb8;
	[tilespmem:$0x1CA80] =	vst v63  }
0x7d: {  	s12 =	simm.s32 $0x8200  }
0x7e: {  	[tilespmem:s12], [sflag:$0x1] =	stream.indirect_vreg.gather [hbm4b:s8+s4], $0x80, v3, vm0, $0xb8;
	[tilespmem:$0x1CA80] =	vst v63  }
0x7f: {  	s13 =	simm.s32 $0x8A00  }
0x80: {  	[tilespmem:s13], [sflag:$0x1] =	stream.indirect_vreg.gather [hbm4b:s9+s4], $0x80, v3, vm0, $0xb8;
	[tilespmem:$0x1CA80] =	vst v63  }
0x81: {  	v3 =	vld [tilespmem:$0x30];
	_ =	sdelay $0x4  }
0x82: {  	v35 =	vshrl.u32 v3, $0x3  }
0x83: {  	v4 =	vmul.u32 $0x30, v35  }
0x84: {  	v3 =	vand.u32 $0x7, v3  }
0x85: {  	v3 =	vor.u32 v3, v4  }
0x86: {  	v4 =	vperm.xlane v3, v0;
	_ =	sdelay $0x1  }
0x87: {  	v4 =	vadd.s32 v1, v4;
	_ =	sdelay $0x3  }
0x88: {  	s16 =	simm.s32 $0x9200;
	v3 =	vperm.xlane v3, v2  }
0x89: {  	[tilespmem:s16], [sflag:$0x1] =	stream.indirect_vreg.gather [hbm4b:s1+s4], $0x80, v4, vm0, $0xb8;
	[tilespmem:$0x1CA80] =	vst v63  }
0x8a: {  	s17 =	simm.s32 $0x9A00;
	v3 =	vadd.s32 v1, v3  }
0x8b: {  	[tilespmem:s17], [sflag:$0x1] =	stream.indirect_vreg.gather [hbm4b:s8+s4], $0x80, v4, vm0, $0xb8;
	[tilespmem:$0x1CA80] =	vst v63  }
0x8c: {  	s20 =	simm.s32 $0xA200  }
0x8d: {  	[tilespmem:s20], [sflag:$0x1] =	stream.indirect_vreg.gather [hbm4b:s9+s4], $0x80, v4, vm0, $0xb8;
	[tilespmem:$0x1CA80] =	vst v63  }
0x8e: {  	s23 =	simm.s32 $0xAA00  }
0x8f: {  	[tilespmem:s23], [sflag:$0x1] =	stream.indirect_vreg.gather [hbm4b:s1+s4], $0x80, v3, vm0, $0xb8;
	[tilespmem:$0x1CA80] =	vst v63  }
0x90: {  	s24 =	simm.s32 $0xB200  }
0x91: {  	[tilespmem:s24], [sflag:$0x1] =	stream.indirect_vreg.gather [hbm4b:s8+s4], $0x80, v3, vm0, $0xb8;
	[tilespmem:$0x1CA80] =	vst v63  }
0x92: {  	s28 =	simm.s32 $0xBA00  }
0x93: {  	[tilespmem:s28], [sflag:$0x1] =	stream.indirect_vreg.gather [hbm4b:s9+s4], $0x80, v3, vm0, $0xb8;
	[tilespmem:$0x1CA80] =	vst v63  }
0x94: {  	v3 =	vld [tilespmem:$0x40];
	_ =	sdelay $0x4  }
0x95: {  	v36 =	vshrl.u32 v3, $0x3  }
0x96: {  	v4 =	vmul.u32 $0x30, v36  }
0x97: {  	v3 =	vand.u32 $0x7, v3  }
0x98: {  	v3 =	vor.u32 v3, v4  }
0x99: {  	v4 =	vperm.xlane v3, v0;
	_ =	sdelay $0x1  }
0x9a: {  	v4 =	vadd.s32 v1, v4;
	_ =	sdelay $0x3  }
0x9b: {  	v3 =	vperm.xlane v3, v2  }
0x9c: {  	[tilespmem:s25], [sflag:$0x2] =	stream.indirect_vreg.gather [hbm4b:s1+s4], $0x80, v4, vm0, $0xb8;
	[tilespmem:$0x1CA80] =	vst v63  }
0x9d: {  	s29 =	simm.s32 $0xCA00;
	v3 =	vadd.s32 v1, v3  }
0x9e: {  	[tilespmem:s29], [sflag:$0x2] =	stream.indirect_vreg.gather [hbm4b:s8+s4], $0x80, v4, vm0, $0xb8;
	[tilespmem:$0x1CA80] =	vst v63  }
0x9f: {  	s30 =	simm.s32 $0xD200  }
0xa0: {  	[tilespmem:s30], [sflag:$0x2] =	stream.indirect_vreg.gather [hbm4b:s9+s4], $0x80, v4, vm0, $0xb8;
	[tilespmem:$0x1CA80] =	vst v63  }
0xa1: {  	s31 =	simm.s32 $0xDA00  }
0xa2: {  	[tilespmem:s31], [sflag:$0x2] =	stream.indirect_vreg.gather [hbm4b:s1+s4], $0x80, v3, vm0, $0xb8;
	[tilespmem:$0x1CA80] =	vst v63  }
0xa3: {  	s0 =	simm.s32 $0xE200  }
0xa4: {  	[tilespmem:s0], [sflag:$0x2] =	stream.indirect_vreg.gather [hbm4b:s8+s4], $0x80, v3, vm0, $0xb8;
	[tilespmem:$0x1CA80] =	vst v63  }
0xa5: {  	s2 =	simm.s32 $0xEA00  }
0xa6: {  	[tilespmem:s2], [sflag:$0x2] =	stream.indirect_vreg.gather [hbm4b:s9+s4], $0x80, v3, vm0, $0xb8;
	[tilespmem:$0x1CA80] =	vst v63  }
0xa7: {  	v3 =	vld [tilespmem:$0x50];
	_ =	sdelay $0x4  }
0xa8: {  	v37 =	vshrl.u32 v3, $0x3  }
0xa9: {  	v4 =	vmul.u32 $0x30, v37  }
0xaa: {  	v3 =	vand.u32 $0x7, v3  }
0xab: {  	v3 =	vor.u32 v3, v4  }
0xac: {  	v4 =	vperm.xlane v3, v0;
	_ =	sdelay $0x1  }
0xad: {  	v4 =	vadd.s32 v1, v4;
	_ =	sdelay $0x3  }
0xae: {  	s3 =	simm.s32 $0xF200;
	v3 =	vperm.xlane v3, v2  }
0xaf: {  	[tilespmem:s3], [sflag:$0x2] =	stream.indirect_vreg.gather [hbm4b:s1+s4], $0x80, v4, vm0, $0xb8;
	[tilespmem:$0x1CA80] =	vst v63  }
0xb0: {  	s5 =	simm.s32 $0xFA00;
	v3 =	vadd.s32 v1, v3  }
0xb1: {  	[tilespmem:s5], [sflag:$0x2] =	stream.indirect_vreg.gather [hbm4b:s8+s4], $0x80, v4, vm0, $0xb8;
	[tilespmem:$0x1CA80] =	vst v63  }
0xb2: {  	s12 =	simm.s32 $0x10200  }
0xb3: {  	[tilespmem:s12], [sflag:$0x2] =	stream.indirect_vreg.gather [hbm4b:s9+s4], $0x80, v4, vm0, $0xb8;
	[tilespmem:$0x1CA80] =	vst v63  }
0xb4: {  	s13 =	simm.s32 $0x10A00  }
0xb5: {  	[tilespmem:s13], [sflag:$0x2] =	stream.indirect_vreg.gather [hbm4b:s1+s4], $0x80, v3, vm0, $0xb8;
	[tilespmem:$0x1CA80] =	vst v63  }
0xb6: {  	s16 =	simm.s32 $0x11200  }
0xb7: {  	[tilespmem:s16], [sflag:$0x2] =	stream.indirect_vreg.gather [hbm4b:s8+s4], $0x80, v3, vm0, $0xb8;
	[tilespmem:$0x1CA80] =	vst v63  }
0xb8: {  	s17 =	simm.s32 $0x11A00  }
0xb9: {  	[tilespmem:s17], [sflag:$0x2] =	stream.indirect_vreg.gather [hbm4b:s9+s4], $0x80, v3, vm0, $0xb8;
	[tilespmem:$0x1CA80] =	vst v63  }
0xba: {  	v3 =	vld [tilespmem:$0x60];
	_ =	sdelay $0x4  }
0xbb: {  	v38 =	vshrl.u32 v3, $0x3  }
0xbc: {  	v4 =	vmul.u32 $0x30, v38  }
0xbd: {  	v3 =	vand.u32 $0x7, v3  }
0xbe: {  	v3 =	vor.u32 v3, v4  }
0xbf: {  	v4 =	vperm.xlane v3, v0;
	_ =	sdelay $0x1  }
0xc0: {  	v4 =	vadd.s32 v1, v4;
	_ =	sdelay $0x3  }
0xc1: {  	s23 =	simm.s32 $0x12200;
	v3 =	vperm.xlane v3, v2  }
0xc2: {  	[tilespmem:s23], [sflag:$0x2] =	stream.indirect_vreg.gather [hbm4b:s1+s4], $0x80, v4, vm0, $0xb8;
	[tilespmem:$0x1CA80] =	vst v63  }
0xc3: {  	s24 =	simm.s32 $0x12A00;
	v3 =	vadd.s32 v1, v3  }
0xc4: {  	[tilespmem:s24], [sflag:$0x2] =	stream.indirect_vreg.gather [hbm4b:s8+s4], $0x80, v4, vm0, $0xb8;
	[tilespmem:$0x1CA80] =	vst v63  }
0xc5: {  	s31 =	simm.s32 $0x13200  }
0xc6: {  	[tilespmem:s31], [sflag:$0x2] =	stream.indirect_vreg.gather [hbm4b:s9+s4], $0x80, v4, vm0, $0xb8;
	[tilespmem:$0x1CA80] =	vst v63  }
0xc7: {  	s0 =	simm.s32 $0x13A00  }
0xc8: {  	[tilespmem:s0], [sflag:$0x2] =	stream.indirect_vreg.gather [hbm4b:s1+s4], $0x80, v3, vm0, $0xb8;
	[tilespmem:$0x1CA80] =	vst v63  }
0xc9: {  	s2 =	simm.s32 $0x14200  }
0xca: {  	[tilespmem:s2], [sflag:$0x2] =	stream.indirect_vreg.gather [hbm4b:s8+s4], $0x80, v3, vm0, $0xb8;
	[tilespmem:$0x1CA80] =	vst v63  }
0xcb: {  	s3 =	simm.s32 $0x14A00  }
0xcc: {  	[tilespmem:s3], [sflag:$0x2] =	stream.indirect_vreg.gather [hbm4b:s9+s4], $0x80, v3, vm0, $0xb8;
	[tilespmem:$0x1CA80] =	vst v63  }
0xcd: {  	v3 =	vld [tilespmem:$0x70];
	_ =	sdelay $0x4  }
0xce: {  	v39 =	vshrl.u32 v3, $0x3  }
0xcf: {  	v4 =	vmul.u32 $0x30, v39  }
0xd0: {  	v3 =	vand.u32 $0x7, v3  }
0xd1: {  	v3 =	vor.u32 v3, v4  }
0xd2: {  	v4 =	vperm.xlane v3, v0;
	_ =	sdelay $0x1  }
0xd3: {  	v4 =	vadd.s32 v1, v4;
	_ =	sdelay $0x3  }
0xd4: {  	s5 =	simm.s32 $0x15200;
	v3 =	vperm.xlane v3, v2  }
0xd5: {  	[tilespmem:s5], [sflag:$0x2] =	stream.indirect_vreg.gather [hbm4b:s1+s4], $0x80, v4, vm0, $0xb8;
	[tilespmem:$0x1CA80] =	vst v63  }
0xd6: {  	s12 =	simm.s32 $0x15A00;
	v3 =	vadd.s32 v1, v3  }
0xd7: {  	[tilespmem:s12], [sflag:$0x2] =	stream.indirect_vreg.gather [hbm4b:s8+s4], $0x80, v4, vm0, $0xb8;
	[tilespmem:$0x1CA80] =	vst v63  }
0xd8: {  	s13 =	simm.s32 $0x16200  }
0xd9: {  	[tilespmem:s13], [sflag:$0x2] =	stream.indirect_vreg.gather [hbm4b:s9+s4], $0x80, v4, vm0, $0xb8;
	[tilespmem:$0x1CA80] =	vst v63  }
0xda: {  	s16 =	simm.s32 $0x16A00  }
0xdb: {  	[tilespmem:s16], [sflag:$0x2] =	stream.indirect_vreg.gather [hbm4b:s1+s4], $0x80, v3, vm0, $0xb8;
	[tilespmem:$0x1CA80] =	vst v63  }
0xdc: {  	s17 =	simm.s32 $0x17200  }
0xdd: {  	[tilespmem:s17], [sflag:$0x2] =	stream.indirect_vreg.gather [hbm4b:s8+s4], $0x80, v3, vm0, $0xb8;
	[tilespmem:$0x1CA80] =	vst v63  }
0xde: {  	s23 =	simm.s32 $0x17A00  }
0xdf: {  	[tilespmem:s23], [sflag:$0x2] =	stream.indirect_vreg.gather [hbm4b:s9+s4], $0x80, v3, vm0, $0xb8;
	[tilespmem:$0x1CA80] =	vst v63  }
0xe0: {  	_ =	swait.ge [sflag:s18], $0xC000  }
0xe1: {  	[sflag:s18] =	ssyncset.done $0x0  }
0xe2: {  	s24 =	rddreg [dreg:$0x18];
	[sflag:s18] =	ssyncadd.s32 $0xFFFF4000  }
0xe3: {  	[hbm4b:s24+s4] =	stream.linear.scatter [tilespmem:s26], [sflag:$0x4], $0xC000, $0x38;
	[tilespmem:$0x1CA80] =	vst v63  }
0xe4: {  	_ =	swait.ge [sflag:s11], $0xC000  }
0xe5: {  	[sflag:s11] =	ssyncset.done $0x0  }
0xe6: {  	[sflag:s11] =	ssyncadd.s32 $0xFFFF4000  }
0xe7: {  	v3 =	vld [tilespmem:$0x80];
	_ =	sdelay $0x4  }
0xe8: {  	v40 =	vshrl.u32 v3, $0x3  }
0xe9: {  	v4 =	vmul.u32 $0x30, v40  }
0xea: {  	v3 =	vand.u32 $0x7, v3  }
0xeb: {  	v3 =	vor.u32 v3, v4  }
0xec: {  	v4 =	vperm.xlane v3, v0;
	_ =	sdelay $0x1  }
0xed: {  	v4 =	vadd.s32 v1, v4;
	_ =	sdelay $0x3  }
0xee: {  	v3 =	vperm.xlane v3, v2  }
0xef: {  	[tilespmem:s26], [sflag:$0x1] =	stream.indirect_vreg.gather [hbm4b:s1+s4], $0x80, v4, vm0, $0xb8;
	[tilespmem:$0x1CA80] =	vst v63  }
0xf0: {  	s0 =	simm.s32 $0xA00;
	v3 =	vadd.s32 v1, v3  }
0xf1: {  	[tilespmem:s0], [sflag:$0x1] =	stream.indirect_vreg.gather [hbm4b:s8+s4], $0x80, v4, vm0, $0xb8;
	[tilespmem:$0x1CA80] =	vst v63  }
0xf2: {  	s2 =	simm.s32 $0x1200  }
0xf3: {  	[tilespmem:s2], [sflag:$0x1] =	stream.indirect_vreg.gather [hbm4b:s9+s4], $0x80, v4, vm0, $0xb8;
	[tilespmem:$0x1CA80] =	vst v63  }
0xf4: {  	s3 =	simm.s32 $0x1A00  }
0xf5: {  	[tilespmem:s3], [sflag:$0x1] =	stream.indirect_vreg.gather [hbm4b:s1+s4], $0x80, v3, vm0, $0xb8;
	[tilespmem:$0x1CA80] =	vst v63  }
0xf6: {  	s5 =	simm.s32 $0x2200  }
0xf7: {  	[tilespmem:s5], [sflag:$0x1] =	stream.indirect_vreg.gather [hbm4b:s8+s4], $0x80, v3, vm0, $0xb8;
	[tilespmem:$0x1CA80] =	vst v63  }
0xf8: {  	s6 =	simm.s32 $0x2A00  }
0xf9: {  	[tilespmem:s6], [sflag:$0x1] =	stream.indirect_vreg.gather [hbm4b:s9+s4], $0x80, v3, vm0, $0xb8;
	[tilespmem:$0x1CA80] =	vst v63  }
0xfa: {  	v3 =	vld [tilespmem:$0x90];
	_ =	sdelay $0x4  }
0xfb: {  	v41 =	vshrl.u32 v3, $0x3  }
0xfc: {  	v4 =	vmul.u32 $0x30, v41  }
0xfd: {  	v3 =	vand.u32 $0x7, v3  }
0xfe: {  	v3 =	vor.u32 v3, v4  }
0xff: {  	v4 =	vperm.xlane v3, v0;
	_ =	sdelay $0x1  }
0x100: {  	v4 =	vadd.s32 v1, v4;
	_ =	sdelay $0x3  }
0x101: {  	s7 =	simm.s32 $0x3200;
	v3 =	vperm.xlane v3, v2  }
0x102: {  	[tilespmem:s7], [sflag:$0x1] =	stream.indirect_vreg.gather [hbm4b:s1+s4], $0x80, v4, vm0, $0xb8;
	[tilespmem:$0x1CA80] =	vst v63  }
0x103: {  	s6 =	simm.s32 $0x3A00;
	v3 =	vadd.s32 v1, v3  }
0x104: {  	[tilespmem:s6], [sflag:$0x1] =	stream.indirect_vreg.gather [hbm4b:s8+s4], $0x80, v4, vm0, $0xb8;
	[tilespmem:$0x1CA80] =	vst v63  }
0x105: {  	s7 =	simm.s32 $0x4200  }
0x106: {  	[tilespmem:s7], [sflag:$0x1] =	stream.indirect_vreg.gather [hbm4b:s9+s4], $0x80, v4, vm0, $0xb8;
	[tilespmem:$0x1CA80] =	vst v63  }
0x107: {  	s12 =	simm.s32 $0x4A00  }
0x108: {  	[tilespmem:s12], [sflag:$0x1] =	stream.indirect_vreg.gather [hbm4b:s1+s4], $0x80, v3, vm0, $0xb8;
	[tilespmem:$0x1CA80] =	vst v63  }
0x109: {  	s13 =	simm.s32 $0x5200  }
0x10a: {  	[tilespmem:s13], [sflag:$0x1] =	stream.indirect_vreg.gather [hbm4b:s8+s4], $0x80, v3, vm0, $0xb8;
	[tilespmem:$0x1CA80] =	vst v63  }
0x10b: {  	s14 =	simm.s32 $0x5A00  }
0x10c: {  	[tilespmem:s14], [sflag:$0x1] =	stream.indirect_vreg.gather [hbm4b:s9+s4], $0x80, v3, vm0, $0xb8;
	[tilespmem:$0x1CA80] =	vst v63  }
0x10d: {  	v3 =	vld [tilespmem:$0xA0];
	_ =	sdelay $0x4  }
0x10e: {  	v42 =	vshrl.u32 v3, $0x3  }
0x10f: {  	v4 =	vmul.u32 $0x30, v42  }
0x110: {  	v3 =	vand.u32 $0x7, v3  }
0x111: {  	v3 =	vor.u32 v3, v4  }
0x112: {  	v4 =	vperm.xlane v3, v0;
	_ =	sdelay $0x1  }
0x113: {  	v4 =	vadd.s32 v1, v4;
	_ =	sdelay $0x3  }
0x114: {  	s15 =	simm.s32 $0x6200;
	v3 =	vperm.xlane v3, v2  }
0x115: {  	[tilespmem:s15], [sflag:$0x1] =	stream.indirect_vreg.gather [hbm4b:s1+s4], $0x80, v4, vm0, $0xb8;
	[tilespmem:$0x1CA80] =	vst v63  }
0x116: {  	s14 =	simm.s32 $0x6A00;
	v3 =	vadd.s32 v1, v3  }
0x117: {  	[tilespmem:s14], [sflag:$0x1] =	stream.indirect_vreg.gather [hbm4b:s8+s4], $0x80, v4, vm0, $0xb8;
	[tilespmem:$0x1CA80] =	vst v63  }
0x118: {  	s15 =	simm.s32 $0x7200  }
0x119: {  	[tilespmem:s15], [sflag:$0x1] =	stream.indirect_vreg.gather [hbm4b:s9+s4], $0x80, v4, vm0, $0xb8;
	[tilespmem:$0x1CA80] =	vst v63  }
0x11a: {  	s16 =	simm.s32 $0x7A00  }
0x11b: {  	[tilespmem:s16], [sflag:$0x1] =	stream.indirect_vreg.gather [hbm4b:s1+s4], $0x80, v3, vm0, $0xb8;
	[tilespmem:$0x1CA80] =	vst v63  }
0x11c: {  	s17 =	simm.s32 $0x8200  }
0x11d: {  	[tilespmem:s17], [sflag:$0x1] =	stream.indirect_vreg.gather [hbm4b:s8+s4], $0x80, v3, vm0, $0xb8;
	[tilespmem:$0x1CA80] =	vst v63  }
0x11e: {  	s21 =	simm.s32 $0x8A00  }
0x11f: {  	[tilespmem:s21], [sflag:$0x1] =	stream.indirect_vreg.gather [hbm4b:s9+s4], $0x80, v3, vm0, $0xb8;
	[tilespmem:$0x1CA80] =	vst v63  }
0x120: {  	v3 =	vld [tilespmem:$0xB0];
	_ =	sdelay $0x4  }
0x121: {  	v43 =	vshrl.u32 v3, $0x3  }
0x122: {  	v4 =	vmul.u32 $0x30, v43  }
0x123: {  	v3 =	vand.u32 $0x7, v3  }
0x124: {  	v3 =	vor.u32 v3, v4  }
0x125: {  	v4 =	vperm.xlane v3, v0;
	_ =	sdelay $0x1  }
0x126: {  	v4 =	vadd.s32 v1, v4;
	_ =	sdelay $0x3  }
0x127: {  	s22 =	simm.s32 $0x9200;
	v3 =	vperm.xlane v3, v2  }
0x128: {  	[tilespmem:s22], [sflag:$0x1] =	stream.indirect_vreg.gather [hbm4b:s1+s4], $0x80, v4, vm0, $0xb8;
	[tilespmem:$0x1CA80] =	vst v63  }
0x129: {  	s21 =	simm.s32 $0x9A00;
	v3 =	vadd.s32 v1, v3  }
0x12a: {  	[tilespmem:s21], [sflag:$0x1] =	stream.indirect_vreg.gather [hbm4b:s8+s4], $0x80, v4, vm0, $0xb8;
	[tilespmem:$0x1CA80] =	vst v63  }
0x12b: {  	s22 =	simm.s32 $0xA200  }
0x12c: {  	[tilespmem:s22], [sflag:$0x1] =	stream.indirect_vreg.gather [hbm4b:s9+s4], $0x80, v4, vm0, $0xb8;
	[tilespmem:$0x1CA80] =	vst v63  }
0x12d: {  	s23 =	simm.s32 $0xAA00  }
0x12e: {  	[tilespmem:s23], [sflag:$0x1] =	stream.indirect_vreg.gather [hbm4b:s1+s4], $0x80, v3, vm0, $0xb8;
	[tilespmem:$0x1CA80] =	vst v63  }
0x12f: {  	s24 =	simm.s32 $0xB200  }
0x130: {  	[tilespmem:s24], [sflag:$0x1] =	stream.indirect_vreg.gather [hbm4b:s8+s4], $0x80, v3, vm0, $0xb8;
	[tilespmem:$0x1CA80] =	vst v63  }
0x131: {  	s28 =	simm.s32 $0xBA00  }
0x132: {  	[tilespmem:s28], [sflag:$0x1] =	stream.indirect_vreg.gather [hbm4b:s9+s4], $0x80, v3, vm0, $0xb8;
	[tilespmem:$0x1CA80] =	vst v63  }
0x133: {  	_ =	swait.ge [sflag:s19], $0xC000  }
0x134: {  	[sflag:s19] =	ssyncset.done $0x0  }
0x135: {  	s28 =	rddreg [dreg:$0x7];
	[sflag:s19] =	ssyncadd.s32 $0xFFFF4000  }
0x136: {  	[hbm4b:s28+s4] =	stream.linear.scatter [tilespmem:s25], [sflag:$0x4], $0xC000, $0x38;
	[tilespmem:$0x1CA80] =	vst v63  }
0x137: {  	_ =	swait.ge [sflag:s11], $0xC000  }
0x138: {  	[sflag:s11] =	ssyncset.done $0x0  }
0x139: {  	[sflag:s11] =	ssyncadd.s32 $0xFFFF4000  }
0x13a: {  	v3 =	vld [tilespmem:$0xC0];
	_ =	sdelay $0x4  }
0x13b: {  	v44 =	vshrl.u32 v3, $0x3  }
0x13c: {  	v4 =	vmul.u32 $0x30, v44  }
0x13d: {  	v3 =	vand.u32 $0x7, v3  }
0x13e: {  	v3 =	vor.u32 v3, v4  }
0x13f: {  	v4 =	vperm.xlane v3, v0;
	_ =	sdelay $0x1  }
0x140: {  	v4 =	vadd.s32 v1, v4;
	_ =	sdelay $0x3  }
0x141: {  	v3 =	vperm.xlane v3, v2  }
0x142: {  	[tilespmem:s25], [sflag:$0x2] =	stream.indirect_vreg.gather [hbm4b:s1+s4], $0x80, v4, vm0, $0xb8;
	[tilespmem:$0x1CA80] =	vst v63  }
0x143: {  	s28 =	simm.s32 $0xCA00;
	v3 =	vadd.s32 v1, v3  }
0x144: {  	[tilespmem:s28], [sflag:$0x2] =	stream.indirect_vreg.gather [hbm4b:s8+s4], $0x80, v4, vm0, $0xb8;
	[tilespmem:$0x1CA80] =	vst v63  }
0x145: {  	s20 =	simm.s32 $0xD200  }
0x146: {  	[tilespmem:s20], [sflag:$0x2] =	stream.indirect_vreg.gather [hbm4b:s9+s4], $0x80, v4, vm0, $0xb8;
	[tilespmem:$0x1CA80] =	vst v63  }
0x147: {  	s20 =	simm.s32 $0xDA00  }
0x148: {  	[tilespmem:s20], [sflag:$0x2] =	stream.indirect_vreg.gather [hbm4b:s1+s4], $0x80, v3, vm0, $0xb8;
	[tilespmem:$0x1CA80] =	vst v63  }
0x149: {  	s20 =	simm.s32 $0xE200  }
0x14a: {  	[tilespmem:s20], [sflag:$0x2] =	stream.indirect_vreg.gather [hbm4b:s8+s4], $0x80, v3, vm0, $0xb8;
	[tilespmem:$0x1CA80] =	vst v63  }
0x14b: {  	s20 =	simm.s32 $0xEA00  }
0x14c: {  	[tilespmem:s20], [sflag:$0x2] =	stream.indirect_vreg.gather [hbm4b:s9+s4], $0x80, v3, vm0, $0xb8;
	[tilespmem:$0x1CA80] =	vst v63  }
0x14d: {  	v3 =	vld [tilespmem:$0xD0];
	_ =	sdelay $0x4  }
0x14e: {  	v45 =	vshrl.u32 v3, $0x3  }
0x14f: {  	v4 =	vmul.u32 $0x30, v45  }
0x150: {  	v3 =	vand.u32 $0x7, v3  }
0x151: {  	v3 =	vor.u32 v3, v4  }
0x152: {  	v4 =	vperm.xlane v3, v0;
	_ =	sdelay $0x1  }
0x153: {  	v4 =	vadd.s32 v1, v4;
	_ =	sdelay $0x3  }
0x154: {  	s20 =	simm.s32 $0xF200;
	v3 =	vperm.xlane v3, v2  }
0x155: {  	[tilespmem:s20], [sflag:$0x2] =	stream.indirect_vreg.gather [hbm4b:s1+s4], $0x80, v4, vm0, $0xb8;
	[tilespmem:$0x1CA80] =	vst v63  }
0x156: {  	v3 =	vadd.s32 v1, v3;
	s20 =	simm.s32 $0xFA00  }
0x157: {  	[tilespmem:s20], [sflag:$0x2] =	stream.indirect_vreg.gather [hbm4b:s8+s4], $0x80, v4, vm0, $0xb8;
	[tilespmem:$0x1CA80] =	vst v63  }
0x158: {  	s20 =	simm.s32 $0x10200  }
0x159: {  	[tilespmem:s20], [sflag:$0x2] =	stream.indirect_vreg.gather [hbm4b:s9+s4], $0x80, v4, vm0, $0xb8;
	[tilespmem:$0x1CA80] =	vst v63  }
0x15a: {  	s20 =	simm.s32 $0x10A00  }
0x15b: {  	[tilespmem:s20], [sflag:$0x2] =	stream.indirect_vreg.gather [hbm4b:s1+s4], $0x80, v3, vm0, $0xb8;
	[tilespmem:$0x1CA80] =	vst v63  }
0x15c: {  	s20 =	simm.s32 $0x11200  }
0x15d: {  	[tilespmem:s20], [sflag:$0x2] =	stream.indirect_vreg.gather [hbm4b:s8+s4], $0x80, v3, vm0, $0xb8;
	[tilespmem:$0x1CA80] =	vst v63  }
0x15e: {  	s29 =	simm.s32 $0x11A00  }
0x15f: {  	[tilespmem:s29], [sflag:$0x2] =	stream.indirect_vreg.gather [hbm4b:s9+s4], $0x80, v3, vm0, $0xb8;
	[tilespmem:$0x1CA80] =	vst v63  }
0x160: {  	v3 =	vld [tilespmem:$0xE0];
	_ =	sdelay $0x4  }
0x161: {  	v46 =	vshrl.u32 v3, $0x3  }
0x162: {  	v4 =	vmul.u32 $0x30, v46  }
0x163: {  	v3 =	vand.u32 $0x7, v3  }
0x164: {  	v3 =	vor.u32 v3, v4  }
0x165: {  	v4 =	vperm.xlane v3, v0;
	_ =	sdelay $0x1  }
0x166: {  	v4 =	vadd.s32 v1, v4;
	_ =	sdelay $0x3  }
0x167: {  	s30 =	simm.s32 $0x12200;
	v3 =	vperm.xlane v3, v2  }
0x168: {  	[tilespmem:s30], [sflag:$0x2] =	stream.indirect_vreg.gather [hbm4b:s1+s4], $0x80, v4, vm0, $0xb8;
	[tilespmem:$0x1CA80] =	vst v63  }
0x169: {  	s29 =	simm.s32 $0x12A00;
	v3 =	vadd.s32 v1, v3  }
0x16a: {  	[tilespmem:s29], [sflag:$0x2] =	stream.indirect_vreg.gather [hbm4b:s8+s4], $0x80, v4, vm0, $0xb8;
	[tilespmem:$0x1CA80] =	vst v63  }
0x16b: {  	s30 =	simm.s32 $0x13200  }
0x16c: {  	[tilespmem:s30], [sflag:$0x2] =	stream.indirect_vreg.gather [hbm4b:s9+s4], $0x80, v4, vm0, $0xb8;
	[tilespmem:$0x1CA80] =	vst v63  }
0x16d: {  	s29 =	simm.s32 $0x13A00  }
0x16e: {  	[tilespmem:s29], [sflag:$0x2] =	stream.indirect_vreg.gather [hbm4b:s1+s4], $0x80, v3, vm0, $0xb8;
	[tilespmem:$0x1CA80] =	vst v63  }
0x16f: {  	s30 =	simm.s32 $0x14200  }
0x170: {  	[tilespmem:s30], [sflag:$0x2] =	stream.indirect_vreg.gather [hbm4b:s8+s4], $0x80, v3, vm0, $0xb8;
	[tilespmem:$0x1CA80] =	vst v63  }
0x171: {  	s31 =	simm.s32 $0x14A00  }
0x172: {  	[tilespmem:s31], [sflag:$0x2] =	stream.indirect_vreg.gather [hbm4b:s9+s4], $0x80, v3, vm0, $0xb8;
	[tilespmem:$0x1CA80] =	vst v63  }
0x173: {  	v3 =	vld [tilespmem:$0xF0];
	_ =	sdelay $0x4  }
0x174: {  	v47 =	vshrl.u32 v3, $0x3  }
0x175: {  	v4 =	vmul.u32 $0x30, v47  }
0x176: {  	v3 =	vand.u32 $0x7, v3  }
0x177: {  	v3 =	vor.u32 v3, v4  }
0x178: {  	v4 =	vperm.xlane v3, v0;
	_ =	sdelay $0x1  }
0x179: {  	v4 =	vadd.s32 v1, v4;
	_ =	sdelay $0x3  }
0x17a: {  	s29 =	simm.s32 $0x15200;
	v3 =	vperm.xlane v3, v2  }
0x17b: {  	[tilespmem:s29], [sflag:$0x2] =	stream.indirect_vreg.gather [hbm4b:s1+s4], $0x80, v4, vm0, $0xb8;
	[tilespmem:$0x1CA80] =	vst v63  }
0x17c: {  	s30 =	simm.s32 $0x15A00;
	v3 =	vadd.s32 v1, v3  }
0x17d: {  	[tilespmem:s30], [sflag:$0x2] =	stream.indirect_vreg.gather [hbm4b:s8+s4], $0x80, v4, vm0, $0xb8;
	[tilespmem:$0x1CA80] =	vst v63  }
0x17e: {  	s31 =	simm.s32 $0x16200  }
0x17f: {  	[tilespmem:s31], [sflag:$0x2] =	stream.indirect_vreg.gather [hbm4b:s9+s4], $0x80, v4, vm0, $0xb8;
	[tilespmem:$0x1CA80] =	vst v63  }
0x180: {  	s29 =	simm.s32 $0x16A00  }
0x181: {  	[tilespmem:s29], [sflag:$0x2] =	stream.indirect_vreg.gather [hbm4b:s1+s4], $0x80, v3, vm0, $0xb8;
	[tilespmem:$0x1CA80] =	vst v63  }
0x182: {  	s30 =	simm.s32 $0x17200  }
0x183: {  	[tilespmem:s30], [sflag:$0x2] =	stream.indirect_vreg.gather [hbm4b:s8+s4], $0x80, v3, vm0, $0xb8;
	[tilespmem:$0x1CA80] =	vst v63  }
0x184: {  	s31 =	simm.s32 $0x17A00  }
0x185: {  	[tilespmem:s31], [sflag:$0x2] =	stream.indirect_vreg.gather [hbm4b:s9+s4], $0x80, v3, vm0, $0xb8;
	[tilespmem:$0x1CA80] =	vst v63  }
0x186: {  	_ =	swait.ge [sflag:s18], $0xC000  }
0x187: {  	[sflag:s18] =	ssyncset.done $0x0  }
0x188: {  	s29 =	rddreg [dreg:$0x8];
	[sflag:s18] =	ssyncadd.s32 $0xFFFF4000  }
0x189: {  	[hbm4b:s29+s4] =	stream.linear.scatter [tilespmem:s26], [sflag:$0x4], $0xC000, $0x38;
	[tilespmem:$0x1CA80] =	vst v63  }
0x18a: {  	_ =	swait.ge [sflag:s11], $0xC000  }
0x18b: {  	[sflag:s11] =	ssyncset.done $0x0  }
0x18c: {  	[sflag:s11] =	ssyncadd.s32 $0xFFFF4000  }
0x18d: {  	v3 =	vld [tilespmem:$0x100];
	_ =	sdelay $0x4  }
0x18e: {  	v48 =	vshrl.u32 v3, $0x3  }
0x18f: {  	v4 =	vmul.u32 $0x30, v48  }
0x190: {  	v3 =	vand.u32 $0x7, v3  }
0x191: {  	v3 =	vor.u32 v3, v4  }
0x192: {  	v4 =	vperm.xlane v3, v0;
	_ =	sdelay $0x1  }
0x193: {  	v4 =	vadd.s32 v1, v4;
	_ =	sdelay $0x3  }
0x194: {  	v3 =	vperm.xlane v3, v2  }
0x195: {  	[tilespmem:s26], [sflag:$0x1] =	stream.indirect_vreg.gather [hbm4b:s1+s4], $0x80, v4, vm0, $0xb8;
	[tilespmem:$0x1CA80] =	vst v63  }
0x196: {  	v3 =	vadd.s32 v1, v3  }
0x197: {  	[tilespmem:s0], [sflag:$0x1] =	stream.indirect_vreg.gather [hbm4b:s8+s4], $0x80, v4, vm0, $0xb8;
	[tilespmem:$0x1CA80] =	vst v63  }
0x198: {  	_ = 	snop  }
0x199: {  	[tilespmem:s2], [sflag:$0x1] =	stream.indirect_vreg.gather [hbm4b:s9+s4], $0x80, v4, vm0, $0xb8;
	[tilespmem:$0x1CA80] =	vst v63  }
0x19a: {  	_ = 	snop  }
0x19b: {  	[tilespmem:s3], [sflag:$0x1] =	stream.indirect_vreg.gather [hbm4b:s1+s4], $0x80, v3, vm0, $0xb8;
	[tilespmem:$0x1CA80] =	vst v63  }
0x19c: {  	_ = 	snop  }
0x19d: {  	[tilespmem:s5], [sflag:$0x1] =	stream.indirect_vreg.gather [hbm4b:s8+s4], $0x80, v3, vm0, $0xb8;
	[tilespmem:$0x1CA80] =	vst v63  }
0x19e: {  	s30 =	simm.s32 $0x2A00  }
0x19f: {  	[tilespmem:s30], [sflag:$0x1] =	stream.indirect_vreg.gather [hbm4b:s9+s4], $0x80, v3, vm0, $0xb8;
	[tilespmem:$0x1CA80] =	vst v63  }
0x1a0: {  	v3 =	vld [tilespmem:$0x110];
	_ =	sdelay $0x4  }
0x1a1: {  	v49 =	vshrl.u32 v3, $0x3  }
0x1a2: {  	v4 =	vmul.u32 $0x30, v49  }
0x1a3: {  	v3 =	vand.u32 $0x7, v3  }
0x1a4: {  	v3 =	vor.u32 v3, v4  }
0x1a5: {  	v4 =	vperm.xlane v3, v0;
	_ =	sdelay $0x1  }
0x1a6: {  	v4 =	vadd.s32 v1, v4;
	_ =	sdelay $0x3  }
0x1a7: {  	s31 =	simm.s32 $0x3200;
	v3 =	vperm.xlane v3, v2  }
0x1a8: {  	[tilespmem:s31], [sflag:$0x1] =	stream.indirect_vreg.gather [hbm4b:s1+s4], $0x80, v4, vm0, $0xb8;
	[tilespmem:$0x1CA80] =	vst v63  }
0x1a9: {  	v3 =	vadd.s32 v1, v3  }
0x1aa: {  	[tilespmem:s6], [sflag:$0x1] =	stream.indirect_vreg.gather [hbm4b:s8+s4], $0x80, v4, vm0, $0xb8;
	[tilespmem:$0x1CA80] =	vst v63  }
0x1ab: {  	_ = 	snop  }
0x1ac: {  	[tilespmem:s7], [sflag:$0x1] =	stream.indirect_vreg.gather [hbm4b:s9+s4], $0x80, v4, vm0, $0xb8;
	[tilespmem:$0x1CA80] =	vst v63  }
0x1ad: {  	_ = 	snop  }
0x1ae: {  	[tilespmem:s12], [sflag:$0x1] =	stream.indirect_vreg.gather [hbm4b:s1+s4], $0x80, v3, vm0, $0xb8;
	[tilespmem:$0x1CA80] =	vst v63  }
0x1af: {  	_ = 	snop  }
0x1b0: {  	[tilespmem:s13], [sflag:$0x1] =	stream.indirect_vreg.gather [hbm4b:s8+s4], $0x80, v3, vm0, $0xb8;
	[tilespmem:$0x1CA80] =	vst v63  }
0x1b1: {  	s29 =	simm.s32 $0x5A00  }
0x1b2: {  	[tilespmem:s29], [sflag:$0x1] =	stream.indirect_vreg.gather [hbm4b:s9+s4], $0x80, v3, vm0, $0xb8;
	[tilespmem:$0x1CA80] =	vst v63  }
0x1b3: {  	v3 =	vld [tilespmem:$0x120];
	_ =	sdelay $0x4  }
0x1b4: {  	v50 =	vshrl.u32 v3, $0x3  }
0x1b5: {  	v4 =	vmul.u32 $0x30, v50  }
0x1b6: {  	v3 =	vand.u32 $0x7, v3  }
0x1b7: {  	v3 =	vor.u32 v3, v4  }
0x1b8: {  	v4 =	vperm.xlane v3, v0;
	_ =	sdelay $0x1  }
0x1b9: {  	v4 =	vadd.s32 v1, v4;
	_ =	sdelay $0x3  }
0x1ba: {  	s30 =	simm.s32 $0x6200;
	v3 =	vperm.xlane v3, v2  }
0x1bb: {  	[tilespmem:s30], [sflag:$0x1] =	stream.indirect_vreg.gather [hbm4b:s1+s4], $0x80, v4, vm0, $0xb8;
	[tilespmem:$0x1CA80] =	vst v63  }
0x1bc: {  	v3 =	vadd.s32 v1, v3  }
0x1bd: {  	[tilespmem:s14], [sflag:$0x1] =	stream.indirect_vreg.gather [hbm4b:s8+s4], $0x80, v4, vm0, $0xb8;
	[tilespmem:$0x1CA80] =	vst v63  }
0x1be: {  	_ = 	snop  }
0x1bf: {  	[tilespmem:s15], [sflag:$0x1] =	stream.indirect_vreg.gather [hbm4b:s9+s4], $0x80, v4, vm0, $0xb8;
	[tilespmem:$0x1CA80] =	vst v63  }
0x1c0: {  	_ = 	snop  }
0x1c1: {  	[tilespmem:s16], [sflag:$0x1] =	stream.indirect_vreg.gather [hbm4b:s1+s4], $0x80, v3, vm0, $0xb8;
	[tilespmem:$0x1CA80] =	vst v63  }
0x1c2: {  	_ = 	snop  }
0x1c3: {  	[tilespmem:s17], [sflag:$0x1] =	stream.indirect_vreg.gather [hbm4b:s8+s4], $0x80, v3, vm0, $0xb8;
	[tilespmem:$0x1CA80] =	vst v63  }
0x1c4: {  	s31 =	simm.s32 $0x8A00  }
0x1c5: {  	[tilespmem:s31], [sflag:$0x1] =	stream.indirect_vreg.gather [hbm4b:s9+s4], $0x80, v3, vm0, $0xb8;
	[tilespmem:$0x1CA80] =	vst v63  }
0x1c6: {  	v3 =	vld [tilespmem:$0x130];
	_ =	sdelay $0x4  }
0x1c7: {  	v51 =	vshrl.u32 v3, $0x3  }
0x1c8: {  	v4 =	vmul.u32 $0x30, v51  }
0x1c9: {  	v3 =	vand.u32 $0x7, v3  }
0x1ca: {  	v3 =	vor.u32 v3, v4  }
0x1cb: {  	v4 =	vperm.xlane v3, v0;
	_ =	sdelay $0x1  }
0x1cc: {  	v4 =	vadd.s32 v1, v4;
	_ =	sdelay $0x3  }
0x1cd: {  	s29 =	simm.s32 $0x9200;
	v3 =	vperm.xlane v3, v2  }
0x1ce: {  	[tilespmem:s29], [sflag:$0x1] =	stream.indirect_vreg.gather [hbm4b:s1+s4], $0x80, v4, vm0, $0xb8;
	[tilespmem:$0x1CA80] =	vst v63  }
0x1cf: {  	v3 =	vadd.s32 v1, v3  }
0x1d0: {  	[tilespmem:s21], [sflag:$0x1] =	stream.indirect_vreg.gather [hbm4b:s8+s4], $0x80, v4, vm0, $0xb8;
	[tilespmem:$0x1CA80] =	vst v63  }
0x1d1: {  	_ = 	snop  }
0x1d2: {  	[tilespmem:s22], [sflag:$0x1] =	stream.indirect_vreg.gather [hbm4b:s9+s4], $0x80, v4, vm0, $0xb8;
	[tilespmem:$0x1CA80] =	vst v63  }
0x1d3: {  	_ = 	snop  }
0x1d4: {  	[tilespmem:s23], [sflag:$0x1] =	stream.indirect_vreg.gather [hbm4b:s1+s4], $0x80, v3, vm0, $0xb8;
	[tilespmem:$0x1CA80] =	vst v63  }
0x1d5: {  	_ = 	snop  }
0x1d6: {  	[tilespmem:s24], [sflag:$0x1] =	stream.indirect_vreg.gather [hbm4b:s8+s4], $0x80, v3, vm0, $0xb8;
	[tilespmem:$0x1CA80] =	vst v63  }
0x1d7: {  	s30 =	simm.s32 $0xBA00  }
0x1d8: {  	[tilespmem:s30], [sflag:$0x1] =	stream.indirect_vreg.gather [hbm4b:s9+s4], $0x80, v3, vm0, $0xb8;
	[tilespmem:$0x1CA80] =	vst v63  }
0x1d9: {  	_ =	swait.ge [sflag:s19], $0xC000  }
0x1da: {  	[sflag:s19] =	ssyncset.done $0x0  }
0x1db: {  	s31 =	rddreg [dreg:$0x9];
	[sflag:s19] =	ssyncadd.s32 $0xFFFF4000  }
0x1dc: {  	[hbm4b:s31+s4] =	stream.linear.scatter [tilespmem:s25], [sflag:$0x4], $0xC000, $0x38;
	[tilespmem:$0x1CA80] =	vst v63  }
0x1dd: {  	_ =	swait.ge [sflag:s11], $0xC000  }
0x1de: {  	[sflag:s11] =	ssyncset.done $0x0  }
0x1df: {  	[sflag:s11] =	ssyncadd.s32 $0xFFFF4000  }
0x1e0: {  	v3 =	vld [tilespmem:$0x140];
	_ =	sdelay $0x4  }
0x1e1: {  	v52 =	vshrl.u32 v3, $0x3  }
0x1e2: {  	v4 =	vmul.u32 $0x30, v52  }
0x1e3: {  	v3 =	vand.u32 $0x7, v3  }
0x1e4: {  	v3 =	vor.u32 v3, v4  }
0x1e5: {  	v4 =	vperm.xlane v3, v0;
	_ =	sdelay $0x1  }
0x1e6: {  	v4 =	vadd.s32 v1, v4;
	_ =	sdelay $0x3  }
0x1e7: {  	v3 =	vperm.xlane v3, v2  }
0x1e8: {  	[tilespmem:s25], [sflag:$0x2] =	stream.indirect_vreg.gather [hbm4b:s1+s4], $0x80, v4, vm0, $0xb8;
	[tilespmem:$0x1CA80] =	vst v63  }
0x1e9: {  	s28 =	simm.s32 $0xCA00;
	v3 =	vadd.s32 v1, v3  }
0x1ea: {  	[tilespmem:s28], [sflag:$0x2] =	stream.indirect_vreg.gather [hbm4b:s8+s4], $0x80, v4, vm0, $0xb8;
	[tilespmem:$0x1CA80] =	vst v63  }
0x1eb: {  	s29 =	simm.s32 $0xD200  }
0x1ec: {  	[tilespmem:s29], [sflag:$0x2] =	stream.indirect_vreg.gather [hbm4b:s9+s4], $0x80, v4, vm0, $0xb8;
	[tilespmem:$0x1CA80] =	vst v63  }
0x1ed: {  	s30 =	simm.s32 $0xDA00  }
0x1ee: {  	[tilespmem:s30], [sflag:$0x2] =	stream.indirect_vreg.gather [hbm4b:s1+s4], $0x80, v3, vm0, $0xb8;
	[tilespmem:$0x1CA80] =	vst v63  }
0x1ef: {  	s31 =	simm.s32 $0xE200  }
0x1f0: {  	[tilespmem:s31], [sflag:$0x2] =	stream.indirect_vreg.gather [hbm4b:s8+s4], $0x80, v3, vm0, $0xb8;
	[tilespmem:$0x1CA80] =	vst v63  }
0x1f1: {  	s20 =	simm.s32 $0xEA00  }
0x1f2: {  	[tilespmem:s20], [sflag:$0x2] =	stream.indirect_vreg.gather [hbm4b:s9+s4], $0x80, v3, vm0, $0xb8;
	[tilespmem:$0x1CA80] =	vst v63  }
0x1f3: {  	v3 =	vld [tilespmem:$0x150];
	_ =	sdelay $0x4  }
0x1f4: {  	v53 =	vshrl.u32 v3, $0x3  }
0x1f5: {  	v4 =	vmul.u32 $0x30, v53  }
0x1f6: {  	v3 =	vand.u32 $0x7, v3  }
0x1f7: {  	v3 =	vor.u32 v3, v4  }
0x1f8: {  	v4 =	vperm.xlane v3, v0;
	_ =	sdelay $0x1  }
0x1f9: {  	v4 =	vadd.s32 v1, v4;
	_ =	sdelay $0x3  }
0x1fa: {  	s20 =	simm.s32 $0xF200;
	v3 =	vperm.xlane v3, v2  }
0x1fb: {  	[tilespmem:s20], [sflag:$0x2] =	stream.indirect_vreg.gather [hbm4b:s1+s4], $0x80, v4, vm0, $0xb8;
	[tilespmem:$0x1CA80] =	vst v63  }
0x1fc: {  	v3 =	vadd.s32 v1, v3;
	s20 =	simm.s32 $0xFA00  }
0x1fd: {  	[tilespmem:s20], [sflag:$0x2] =	stream.indirect_vreg.gather [hbm4b:s8+s4], $0x80, v4, vm0, $0xb8;
	[tilespmem:$0x1CA80] =	vst v63  }
0x1fe: {  	s20 =	simm.s32 $0x10200  }
0x1ff: {  	[tilespmem:s20], [sflag:$0x2] =	stream.indirect_vreg.gather [hbm4b:s9+s4], $0x80, v4, vm0, $0xb8;
	[tilespmem:$0x1CA80] =	vst v63  }
0x200: {  	s20 =	simm.s32 $0x10A00  }
0x201: {  	[tilespmem:s20], [sflag:$0x2] =	stream.indirect_vreg.gather [hbm4b:s1+s4], $0x80, v3, vm0, $0xb8;
	[tilespmem:$0x1CA80] =	vst v63  }
0x202: {  	s20 =	simm.s32 $0x11200  }
0x203: {  	[tilespmem:s20], [sflag:$0x2] =	stream.indirect_vreg.gather [hbm4b:s8+s4], $0x80, v3, vm0, $0xb8;
	[tilespmem:$0x1CA80] =	vst v63  }
0x204: {  	s20 =	simm.s32 $0x11A00  }
0x205: {  	[tilespmem:s20], [sflag:$0x2] =	stream.indirect_vreg.gather [hbm4b:s9+s4], $0x80, v3, vm0, $0xb8;
	[tilespmem:$0x1CA80] =	vst v63  }
0x206: {  	v3 =	vld [tilespmem:$0x160];
	_ =	sdelay $0x4  }
0x207: {  	v54 =	vshrl.u32 v3, $0x3  }
0x208: {  	v4 =	vmul.u32 $0x30, v54  }
0x209: {  	v3 =	vand.u32 $0x7, v3  }
0x20a: {  	v3 =	vor.u32 v3, v4  }
0x20b: {  	v4 =	vperm.xlane v3, v0;
	_ =	sdelay $0x1  }
0x20c: {  	v4 =	vadd.s32 v1, v4;
	_ =	sdelay $0x3  }
0x20d: {  	s20 =	simm.s32 $0x12200;
	v3 =	vperm.xlane v3, v2  }
0x20e: {  	[tilespmem:s20], [sflag:$0x2] =	stream.indirect_vreg.gather [hbm4b:s1+s4], $0x80, v4, vm0, $0xb8;
	[tilespmem:$0x1CA80] =	vst v63  }
0x20f: {  	v3 =	vadd.s32 v1, v3;
	s20 =	simm.s32 $0x12A00  }
0x210: {  	[tilespmem:s20], [sflag:$0x2] =	stream.indirect_vreg.gather [hbm4b:s8+s4], $0x80, v4, vm0, $0xb8;
	[tilespmem:$0x1CA80] =	vst v63  }
0x211: {  	s20 =	simm.s32 $0x13200  }
0x212: {  	[tilespmem:s20], [sflag:$0x2] =	stream.indirect_vreg.gather [hbm4b:s9+s4], $0x80, v4, vm0, $0xb8;
	[tilespmem:$0x1CA80] =	vst v63  }
0x213: {  	s20 =	simm.s32 $0x13A00  }
0x214: {  	[tilespmem:s20], [sflag:$0x2] =	stream.indirect_vreg.gather [hbm4b:s1+s4], $0x80, v3, vm0, $0xb8;
	[tilespmem:$0x1CA80] =	vst v63  }
0x215: {  	s20 =	simm.s32 $0x14200  }
0x216: {  	[tilespmem:s20], [sflag:$0x2] =	stream.indirect_vreg.gather [hbm4b:s8+s4], $0x80, v3, vm0, $0xb8;
	[tilespmem:$0x1CA80] =	vst v63  }
0x217: {  	s20 =	simm.s32 $0x14A00  }
0x218: {  	[tilespmem:s20], [sflag:$0x2] =	stream.indirect_vreg.gather [hbm4b:s9+s4], $0x80, v3, vm0, $0xb8;
	[tilespmem:$0x1CA80] =	vst v63  }
0x219: {  	v3 =	vld [tilespmem:$0x170];
	_ =	sdelay $0x4  }
0x21a: {  	v55 =	vshrl.u32 v3, $0x3  }
0x21b: {  	v4 =	vmul.u32 $0x30, v55  }
0x21c: {  	v3 =	vand.u32 $0x7, v3  }
0x21d: {  	v3 =	vor.u32 v3, v4  }
0x21e: {  	v4 =	vperm.xlane v3, v0;
	_ =	sdelay $0x1  }
0x21f: {  	v4 =	vadd.s32 v1, v4;
	_ =	sdelay $0x3  }
0x220: {  	s20 =	simm.s32 $0x15200;
	v3 =	vperm.xlane v3, v2  }
0x221: {  	[tilespmem:s20], [sflag:$0x2] =	stream.indirect_vreg.gather [hbm4b:s1+s4], $0x80, v4, vm0, $0xb8;
	[tilespmem:$0x1CA80] =	vst v63  }
0x222: {  	v3 =	vadd.s32 v1, v3;
	s20 =	simm.s32 $0x15A00  }
0x223: {  	[tilespmem:s20], [sflag:$0x2] =	stream.indirect_vreg.gather [hbm4b:s8+s4], $0x80, v4, vm0, $0xb8;
	[tilespmem:$0x1CA80] =	vst v63  }
0x224: {  	s20 =	simm.s32 $0x16200  }
0x225: {  	[tilespmem:s20], [sflag:$0x2] =	stream.indirect_vreg.gather [hbm4b:s9+s4], $0x80, v4, vm0, $0xb8;
	[tilespmem:$0x1CA80] =	vst v63  }
0x226: {  	s20 =	simm.s32 $0x16A00  }
0x227: {  	[tilespmem:s20], [sflag:$0x2] =	stream.indirect_vreg.gather [hbm4b:s1+s4], $0x80, v3, vm0, $0xb8;
	[tilespmem:$0x1CA80] =	vst v63  }
0x228: {  	s20 =	simm.s32 $0x17200  }
0x229: {  	[tilespmem:s20], [sflag:$0x2] =	stream.indirect_vreg.gather [hbm4b:s8+s4], $0x80, v3, vm0, $0xb8;
	[tilespmem:$0x1CA80] =	vst v63  }
0x22a: {  	s20 =	simm.s32 $0x17A00  }
0x22b: {  	[tilespmem:s20], [sflag:$0x2] =	stream.indirect_vreg.gather [hbm4b:s9+s4], $0x80, v3, vm0, $0xb8;
	[tilespmem:$0x1CA80] =	vst v63  }
0x22c: {  	_ =	swait.ge [sflag:s18], $0xC000  }
0x22d: {  	[sflag:s18] =	ssyncset.done $0x0  }
0x22e: {  	s20 =	rddreg [dreg:$0xa];
	[sflag:s18] =	ssyncadd.s32 $0xFFFF4000  }
0x22f: {  	[hbm4b:s20+s4] =	stream.linear.scatter [tilespmem:s26], [sflag:$0x4], $0xC000, $0x38;
	[tilespmem:$0x1CA80] =	vst v63  }
0x230: {  	_ =	swait.ge [sflag:s11], $0xC000  }
0x231: {  	[sflag:s11] =	ssyncset.done $0x0  }
0x232: {  	[sflag:s11] =	ssyncadd.s32 $0xFFFF4000  }
0x233: {  	v3 =	vld [tilespmem:$0x180];
	_ =	sdelay $0x4  }
0x234: {  	v56 =	vshrl.u32 v3, $0x3  }
0x235: {  	v4 =	vmul.u32 $0x30, v56  }
0x236: {  	v3 =	vand.u32 $0x7, v3  }
0x237: {  	v3 =	vor.u32 v3, v4  }
0x238: {  	v4 =	vperm.xlane v3, v0;
	_ =	sdelay $0x1  }
0x239: {  	v4 =	vadd.s32 v1, v4;
	_ =	sdelay $0x3  }
0x23a: {  	v3 =	vperm.xlane v3, v2  }
0x23b: {  	[tilespmem:s26], [sflag:$0x1] =	stream.indirect_vreg.gather [hbm4b:s1+s4], $0x80, v4, vm0, $0xb8;
	[tilespmem:$0x1CA80] =	vst v63  }
0x23c: {  	s0 =	simm.s32 $0xA00;
	v3 =	vadd.s32 v1, v3  }
0x23d: {  	[tilespmem:s0], [sflag:$0x1] =	stream.indirect_vreg.gather [hbm4b:s8+s4], $0x80, v4, vm0, $0xb8;
	[tilespmem:$0x1CA80] =	vst v63  }
0x23e: {  	s2 =	simm.s32 $0x1200  }
0x23f: {  	[tilespmem:s2], [sflag:$0x1] =	stream.indirect_vreg.gather [hbm4b:s9+s4], $0x80, v4, vm0, $0xb8;
	[tilespmem:$0x1CA80] =	vst v63  }
0x240: {  	s3 =	simm.s32 $0x1A00  }
0x241: {  	[tilespmem:s3], [sflag:$0x1] =	stream.indirect_vreg.gather [hbm4b:s1+s4], $0x80, v3, vm0, $0xb8;
	[tilespmem:$0x1CA80] =	vst v63  }
0x242: {  	s5 =	simm.s32 $0x2200  }
0x243: {  	[tilespmem:s5], [sflag:$0x1] =	stream.indirect_vreg.gather [hbm4b:s8+s4], $0x80, v3, vm0, $0xb8;
	[tilespmem:$0x1CA80] =	vst v63  }
0x244: {  	s3 =	simm.s32 $0x2A00  }
0x245: {  	[tilespmem:s3], [sflag:$0x1] =	stream.indirect_vreg.gather [hbm4b:s9+s4], $0x80, v3, vm0, $0xb8;
	[tilespmem:$0x1CA80] =	vst v63  }
0x246: {  	v3 =	vld [tilespmem:$0x190];
	_ =	sdelay $0x4  }
0x247: {  	v57 =	vshrl.u32 v3, $0x3  }
0x248: {  	v4 =	vmul.u32 $0x30, v57  }
0x249: {  	v3 =	vand.u32 $0x7, v3  }
0x24a: {  	v3 =	vor.u32 v3, v4  }
0x24b: {  	v4 =	vperm.xlane v3, v0;
	_ =	sdelay $0x1  }
0x24c: {  	v4 =	vadd.s32 v1, v4;
	_ =	sdelay $0x3  }
0x24d: {  	s5 =	simm.s32 $0x3200;
	v3 =	vperm.xlane v3, v2  }
0x24e: {  	[tilespmem:s5], [sflag:$0x1] =	stream.indirect_vreg.gather [hbm4b:s1+s4], $0x80, v4, vm0, $0xb8;
	[tilespmem:$0x1CA80] =	vst v63  }
0x24f: {  	s6 =	simm.s32 $0x3A00;
	v3 =	vadd.s32 v1, v3  }
0x250: {  	[tilespmem:s6], [sflag:$0x1] =	stream.indirect_vreg.gather [hbm4b:s8+s4], $0x80, v4, vm0, $0xb8;
	[tilespmem:$0x1CA80] =	vst v63  }
0x251: {  	s7 =	simm.s32 $0x4200  }
0x252: {  	[tilespmem:s7], [sflag:$0x1] =	stream.indirect_vreg.gather [hbm4b:s9+s4], $0x80, v4, vm0, $0xb8;
	[tilespmem:$0x1CA80] =	vst v63  }
0x253: {  	s12 =	simm.s32 $0x4A00  }
0x254: {  	[tilespmem:s12], [sflag:$0x1] =	stream.indirect_vreg.gather [hbm4b:s1+s4], $0x80, v3, vm0, $0xb8;
	[tilespmem:$0x1CA80] =	vst v63  }
0x255: {  	s13 =	simm.s32 $0x5200  }
0x256: {  	[tilespmem:s13], [sflag:$0x1] =	stream.indirect_vreg.gather [hbm4b:s8+s4], $0x80, v3, vm0, $0xb8;
	[tilespmem:$0x1CA80] =	vst v63  }
0x257: {  	s12 =	simm.s32 $0x5A00  }
0x258: {  	[tilespmem:s12], [sflag:$0x1] =	stream.indirect_vreg.gather [hbm4b:s9+s4], $0x80, v3, vm0, $0xb8;
	[tilespmem:$0x1CA80] =	vst v63  }
0x259: {  	v3 =	vld [tilespmem:$0x1A0];
	_ =	sdelay $0x4  }
0x25a: {  	v58 =	vshrl.u32 v3, $0x3  }
0x25b: {  	v4 =	vmul.u32 $0x30, v58  }
0x25c: {  	v3 =	vand.u32 $0x7, v3  }
0x25d: {  	v3 =	vor.u32 v3, v4  }
0x25e: {  	v4 =	vperm.xlane v3, v0;
	_ =	sdelay $0x1  }
0x25f: {  	v4 =	vadd.s32 v1, v4;
	_ =	sdelay $0x3  }
0x260: {  	s13 =	simm.s32 $0x6200;
	v3 =	vperm.xlane v3, v2  }
0x261: {  	[tilespmem:s13], [sflag:$0x1] =	stream.indirect_vreg.gather [hbm4b:s1+s4], $0x80, v4, vm0, $0xb8;
	[tilespmem:$0x1CA80] =	vst v63  }
0x262: {  	s14 =	simm.s32 $0x6A00;
	v3 =	vadd.s32 v1, v3  }
0x263: {  	[tilespmem:s14], [sflag:$0x1] =	stream.indirect_vreg.gather [hbm4b:s8+s4], $0x80, v4, vm0, $0xb8;
	[tilespmem:$0x1CA80] =	vst v63  }
0x264: {  	s15 =	simm.s32 $0x7200  }
0x265: {  	[tilespmem:s15], [sflag:$0x1] =	stream.indirect_vreg.gather [hbm4b:s9+s4], $0x80, v4, vm0, $0xb8;
	[tilespmem:$0x1CA80] =	vst v63  }
0x266: {  	s16 =	simm.s32 $0x7A00  }
0x267: {  	[tilespmem:s16], [sflag:$0x1] =	stream.indirect_vreg.gather [hbm4b:s1+s4], $0x80, v3, vm0, $0xb8;
	[tilespmem:$0x1CA80] =	vst v63  }
0x268: {  	s17 =	simm.s32 $0x8200  }
0x269: {  	[tilespmem:s17], [sflag:$0x1] =	stream.indirect_vreg.gather [hbm4b:s8+s4], $0x80, v3, vm0, $0xb8;
	[tilespmem:$0x1CA80] =	vst v63  }
0x26a: {  	s17 =	simm.s32 $0x8A00  }
0x26b: {  	[tilespmem:s17], [sflag:$0x1] =	stream.indirect_vreg.gather [hbm4b:s9+s4], $0x80, v3, vm0, $0xb8;
	[tilespmem:$0x1CA80] =	vst v63  }
0x26c: {  	v3 =	vld [tilespmem:$0x1B0];
	_ =	sdelay $0x4  }
0x26d: {  	v59 =	vshrl.u32 v3, $0x3  }
0x26e: {  	v4 =	vmul.u32 $0x30, v59  }
0x26f: {  	v3 =	vand.u32 $0x7, v3  }
0x270: {  	v3 =	vor.u32 v3, v4  }
0x271: {  	v4 =	vperm.xlane v3, v0;
	_ =	sdelay $0x1  }
0x272: {  	v4 =	vadd.s32 v1, v4;
	_ =	sdelay $0x3  }
0x273: {  	s20 =	simm.s32 $0x9200;
	v3 =	vperm.xlane v3, v2  }
0x274: {  	[tilespmem:s20], [sflag:$0x1] =	stream.indirect_vreg.gather [hbm4b:s1+s4], $0x80, v4, vm0, $0xb8;
	[tilespmem:$0x1CA80] =	vst v63  }
0x275: {  	s21 =	simm.s32 $0x9A00;
	v3 =	vadd.s32 v1, v3  }
0x276: {  	[tilespmem:s21], [sflag:$0x1] =	stream.indirect_vreg.gather [hbm4b:s8+s4], $0x80, v4, vm0, $0xb8;
	[tilespmem:$0x1CA80] =	vst v63  }
0x277: {  	s22 =	simm.s32 $0xA200  }
0x278: {  	[tilespmem:s22], [sflag:$0x1] =	stream.indirect_vreg.gather [hbm4b:s9+s4], $0x80, v4, vm0, $0xb8;
	[tilespmem:$0x1CA80] =	vst v63  }
0x279: {  	s23 =	simm.s32 $0xAA00  }
0x27a: {  	[tilespmem:s23], [sflag:$0x1] =	stream.indirect_vreg.gather [hbm4b:s1+s4], $0x80, v3, vm0, $0xb8;
	[tilespmem:$0x1CA80] =	vst v63  }
0x27b: {  	s24 =	simm.s32 $0xB200  }
0x27c: {  	[tilespmem:s24], [sflag:$0x1] =	stream.indirect_vreg.gather [hbm4b:s8+s4], $0x80, v3, vm0, $0xb8;
	[tilespmem:$0x1CA80] =	vst v63  }
0x27d: {  	s23 =	simm.s32 $0xBA00  }
0x27e: {  	[tilespmem:s23], [sflag:$0x1] =	stream.indirect_vreg.gather [hbm4b:s9+s4], $0x80, v3, vm0, $0xb8;
	[tilespmem:$0x1CA80] =	vst v63  }
0x27f: {  	_ =	swait.ge [sflag:s19], $0xC000  }
0x280: {  	[sflag:s19] =	ssyncset.done $0x0  }
0x281: {  	s24 =	rddreg [dreg:$0xb];
	[sflag:s19] =	ssyncadd.s32 $0xFFFF4000  }
0x282: {  	[hbm4b:s24+s4] =	stream.linear.scatter [tilespmem:s25], [sflag:$0x4], $0xC000, $0x38;
	[tilespmem:$0x1CA80] =	vst v63  }
0x283: {  	_ =	swait.ge [sflag:s11], $0xC000  }
0x284: {  	[sflag:s11] =	ssyncset.done $0x0  }
0x285: {  	[sflag:s11] =	ssyncadd.s32 $0xFFFF4000  }
0x286: {  	v3 =	vld [tilespmem:$0x1C0];
	_ =	sdelay $0x4  }
0x287: {  	v60 =	vshrl.u32 v3, $0x3  }
0x288: {  	v4 =	vmul.u32 $0x30, v60  }
0x289: {  	v3 =	vand.u32 $0x7, v3  }
0x28a: {  	v3 =	vor.u32 v3, v4  }
0x28b: {  	v4 =	vperm.xlane v3, v0;
	_ =	sdelay $0x1  }
0x28c: {  	v4 =	vadd.s32 v1, v4;
	_ =	sdelay $0x3  }
0x28d: {  	v3 =	vperm.xlane v3, v2  }
0x28e: {  	[tilespmem:s25], [sflag:$0x2] =	stream.indirect_vreg.gather [hbm4b:s1+s4], $0x80, v4, vm0, $0xb8;
	[tilespmem:$0x1CA80] =	vst v63  }
0x28f: {  	s28 =	simm.s32 $0xCA00;
	v3 =	vadd.s32 v1, v3  }
0x290: {  	[tilespmem:s28], [sflag:$0x2] =	stream.indirect_vreg.gather [hbm4b:s8+s4], $0x80, v4, vm0, $0xb8;
	[tilespmem:$0x1CA80] =	vst v63  }
0x291: {  	s29 =	simm.s32 $0xD200  }
0x292: {  	[tilespmem:s29], [sflag:$0x2] =	stream.indirect_vreg.gather [hbm4b:s9+s4], $0x80, v4, vm0, $0xb8;
	[tilespmem:$0x1CA80] =	vst v63  }
0x293: {  	s30 =	simm.s32 $0xDA00  }
0x294: {  	[tilespmem:s30], [sflag:$0x2] =	stream.indirect_vreg.gather [hbm4b:s1+s4], $0x80, v3, vm0, $0xb8;
	[tilespmem:$0x1CA80] =	vst v63  }
0x295: {  	s31 =	simm.s32 $0xE200  }
0x296: {  	[tilespmem:s31], [sflag:$0x2] =	stream.indirect_vreg.gather [hbm4b:s8+s4], $0x80, v3, vm0, $0xb8;
	[tilespmem:$0x1CA80] =	vst v63  }
0x297: {  	s28 =	simm.s32 $0xEA00  }
0x298: {  	[tilespmem:s28], [sflag:$0x2] =	stream.indirect_vreg.gather [hbm4b:s9+s4], $0x80, v3, vm0, $0xb8;
	[tilespmem:$0x1CA80] =	vst v63  }
0x299: {  	v3 =	vld [tilespmem:$0x1D0];
	_ =	sdelay $0x4  }
0x29a: {  	v61 =	vshrl.u32 v3, $0x3  }
0x29b: {  	v4 =	vmul.u32 $0x30, v61  }
0x29c: {  	v3 =	vand.u32 $0x7, v3  }
0x29d: {  	v3 =	vor.u32 v3, v4  }
0x29e: {  	v4 =	vperm.xlane v3, v0;
	_ =	sdelay $0x1  }
0x29f: {  	v4 =	vadd.s32 v1, v4;
	_ =	sdelay $0x3  }
0x2a0: {  	s29 =	simm.s32 $0xF200;
	v3 =	vperm.xlane v3, v2  }
0x2a1: {  	[tilespmem:s29], [sflag:$0x2] =	stream.indirect_vreg.gather [hbm4b:s1+s4], $0x80, v4, vm0, $0xb8;
	[tilespmem:$0x1CA80] =	vst v63  }
0x2a2: {  	s30 =	simm.s32 $0xFA00;
	v3 =	vadd.s32 v1, v3  }
0x2a3: {  	[tilespmem:s30], [sflag:$0x2] =	stream.indirect_vreg.gather [hbm4b:s8+s4], $0x80, v4, vm0, $0xb8;
	[tilespmem:$0x1CA80] =	vst v63  }
0x2a4: {  	s31 =	simm.s32 $0x10200  }
0x2a5: {  	[tilespmem:s31], [sflag:$0x2] =	stream.indirect_vreg.gather [hbm4b:s9+s4], $0x80, v4, vm0, $0xb8;
	[tilespmem:$0x1CA80] =	vst v63  }
0x2a6: {  	s2 =	simm.s32 $0x10A00  }
0x2a7: {  	[tilespmem:s2], [sflag:$0x2] =	stream.indirect_vreg.gather [hbm4b:s1+s4], $0x80, v3, vm0, $0xb8;
	[tilespmem:$0x1CA80] =	vst v63  }
0x2a8: {  	s3 =	simm.s32 $0x11200  }
0x2a9: {  	[tilespmem:s3], [sflag:$0x2] =	stream.indirect_vreg.gather [hbm4b:s8+s4], $0x80, v3, vm0, $0xb8;
	[tilespmem:$0x1CA80] =	vst v63  }
0x2aa: {  	s5 =	simm.s32 $0x11A00  }
0x2ab: {  	[tilespmem:s5], [sflag:$0x2] =	stream.indirect_vreg.gather [hbm4b:s9+s4], $0x80, v3, vm0, $0xb8;
	[tilespmem:$0x1CA80] =	vst v63  }
0x2ac: {  	v3 =	vld [tilespmem:$0x1E0];
	_ =	sdelay $0x4  }
0x2ad: {  	v62 =	vshrl.u32 v3, $0x3  }
0x2ae: {  	v4 =	vmul.u32 $0x30, v62  }
0x2af: {  	v3 =	vand.u32 $0x7, v3  }
0x2b0: {  	v3 =	vor.u32 v3, v4  }
0x2b1: {  	v4 =	vperm.xlane v3, v0;
	_ =	sdelay $0x1  }
0x2b2: {  	v4 =	vadd.s32 v1, v4;
	_ =	sdelay $0x3  }
0x2b3: {  	s6 =	simm.s32 $0x12200;
	v3 =	vperm.xlane v3, v2  }
0x2b4: {  	[tilespmem:s6], [sflag:$0x2] =	stream.indirect_vreg.gather [hbm4b:s1+s4], $0x80, v4, vm0, $0xb8;
	[tilespmem:$0x1CA80] =	vst v63  }
0x2b5: {  	s7 =	simm.s32 $0x12A00;
	v3 =	vadd.s32 v1, v3  }
0x2b6: {  	[tilespmem:s7], [sflag:$0x2] =	stream.indirect_vreg.gather [hbm4b:s8+s4], $0x80, v4, vm0, $0xb8;
	[tilespmem:$0x1CA80] =	vst v63  }
0x2b7: {  	s12 =	simm.s32 $0x13200  }
0x2b8: {  	[tilespmem:s12], [sflag:$0x2] =	stream.indirect_vreg.gather [hbm4b:s9+s4], $0x80, v4, vm0, $0xb8;
	[tilespmem:$0x1CA80] =	vst v63  }
0x2b9: {  	s13 =	simm.s32 $0x13A00  }
0x2ba: {  	[tilespmem:s13], [sflag:$0x2] =	stream.indirect_vreg.gather [hbm4b:s1+s4], $0x80, v3, vm0, $0xb8;
	[tilespmem:$0x1CA80] =	vst v63  }
0x2bb: {  	s14 =	simm.s32 $0x14200  }
0x2bc: {  	[tilespmem:s14], [sflag:$0x2] =	stream.indirect_vreg.gather [hbm4b:s8+s4], $0x80, v3, vm0, $0xb8;
	[tilespmem:$0x1CA80] =	vst v63  }
0x2bd: {  	s15 =	simm.s32 $0x14A00  }
0x2be: {  	[tilespmem:s15], [sflag:$0x2] =	stream.indirect_vreg.gather [hbm4b:s9+s4], $0x80, v3, vm0, $0xb8;
	[tilespmem:$0x1CA80] =	vst v63  }
0x2bf: {  	v3 =	vld [tilespmem:$0x1F0];
	_ =	sdelay $0x4  }
0x2c0: {  	v63 =	vshrl.u32 v3, $0x3  }
0x2c1: {  	v4 =	vmul.u32 $0x30, v63  }
0x2c2: {  	v3 =	vand.u32 $0x7, v3  }
0x2c3: {  	v3 =	vor.u32 v3, v4  }
0x2c4: {  	v4 =	vperm.xlane v3, v0;
	_ =	sdelay $0x1  }
0x2c5: {  	v4 =	vadd.s32 v1, v4;
	_ =	sdelay $0x3  }
0x2c6: {  	s16 =	simm.s32 $0x15200;
	v3 =	vperm.xlane v3, v2  }
0x2c7: {  	[tilespmem:s16], [sflag:$0x2] =	stream.indirect_vreg.gather [hbm4b:s1+s4], $0x80, v4, vm0, $0xb8;
	[tilespmem:$0x1CA80] =	vst v63  }
0x2c8: {  	s17 =	simm.s32 $0x15A00;
	v3 =	vadd.s32 v1, v3  }
0x2c9: {  	[tilespmem:s17], [sflag:$0x2] =	stream.indirect_vreg.gather [hbm4b:s8+s4], $0x80, v4, vm0, $0xb8;
	[tilespmem:$0x1CA80] =	vst v63  }
0x2ca: {  	s20 =	simm.s32 $0x16200  }
0x2cb: {  	[tilespmem:s20], [sflag:$0x2] =	stream.indirect_vreg.gather [hbm4b:s9+s4], $0x80, v4, vm0, $0xb8;
	[tilespmem:$0x1CA80] =	vst v63  }
0x2cc: {  	s21 =	simm.s32 $0x16A00  }
0x2cd: {  	[tilespmem:s21], [sflag:$0x2] =	stream.indirect_vreg.gather [hbm4b:s1+s4], $0x80, v3, vm0, $0xb8;
	[tilespmem:$0x1CA80] =	vst v63  }
0x2ce: {  	s22 =	simm.s32 $0x17200  }
0x2cf: {  	[tilespmem:s22], [sflag:$0x2] =	stream.indirect_vreg.gather [hbm4b:s8+s4], $0x80, v3, vm0, $0xb8;
	[tilespmem:$0x1CA80] =	vst v63  }
0x2d0: {  	s23 =	simm.s32 $0x17A00  }
0x2d1: {  	[tilespmem:s23], [sflag:$0x2] =	stream.indirect_vreg.gather [hbm4b:s9+s4], $0x80, v3, vm0, $0xb8;
	[tilespmem:$0x1CA80] =	vst v63  }
0x2d2: {  	_ =	swait.ge [sflag:s18], $0xC000  }
0x2d3: {  	[sflag:s18] =	ssyncset.done $0x0  }
0x2d4: {  	s24 =	rddreg [dreg:$0xc];
	[sflag:s18] =	ssyncadd.s32 $0xFFFF4000  }
0x2d5: {  	[hbm4b:s24+s4] =	stream.linear.scatter [tilespmem:s26], [sflag:$0x4], $0xC000, $0x38;
	[tilespmem:$0x1CA80] =	vst v63  }
0x2d6: {  	_ =	swait.ge [sflag:s11], $0xC000  }
0x2d7: {  	[sflag:s11] =	ssyncset.done $0x0  }
0x2d8: {  	[sflag:s11] =	ssyncadd.s32 $0xFFFF4000  }
0x2d9: {  	_ =	swait.ge [sflag:s19], $0xC000  }
0x2da: {  	[sflag:s19] =	ssyncset.done $0x0  }
0x2db: {  	s28 =	rddreg [dreg:$0xd];
	[sflag:s19] =	ssyncadd.s32 $0xFFFF4000  }
0x2dc: {  	[hbm4b:s28+s4] =	stream.linear.scatter [tilespmem:s25], [sflag:$0x4], $0xC000, $0x38;
	[tilespmem:$0x1CA80] =	vst v63  }
0x2dd: {  	_ =	swait.ge [sflag:s11], $0xC000  }
0x2de: {  	[sflag:s11] =	ssyncset.done $0x0  }
0x2df: {  	s29 =	simm.s32 $0x3;
	[sflag:s11] =	ssyncadd.s32 $0xFFFF4000  }
0x2e0: {  	_ =	swait.ge [sflag:s29], $0x4800  }
0x2e1: {  	p0 =	sne.s32 s10, $0x1;
	s31 =	simm.s32 $0x18280;
	[sflag:s29] =	ssyncset.done $0x0  }
.Ltmp0:
0x2e2: {  	s30 =	rddreg [dreg:$0xe];
	[sflag:s29] =	ssyncadd.s32 $0xFFFFB800;
	(pc) =	sbr.rel @p0 .LBB2_1-.Ltmp0, $4  }
0x2e3: {  	[hbm4b:s30+s4] =	stream.linear.scatter [tilespmem:s31], [sflag:$0x4], $0x4800, $0x38;
	[tilespmem:$0x1CA80] =	vst v63  }
0x2e4: {  	_ =	swait.ge [sflag:s11], $0x4800  }
0x2e5: {  	[sflag:s11] =	ssyncset.done $0x0  }
0x2e6: {  	s10 =	sadd.s32 $0xFFFFFFFF, s10;
	[sflag:s11] =	ssyncadd.s32 $0xFFFFB800  }
0x2e7: {  	_ =	sfence.sel $0x180000  }
0x2e8: {  	[bflag:$0x0] =	sbarrier.arrive $0xFFFF  }
0x2e9: {  	_ =	strace $0x90000047  }
0x2ea: {  	s0 =	stileid.u32;
	[bflag:$0x2] =	sbarrier.arrive $0xFFFF  }
0x2eb: {  	p0 =	sne.s32 s0, $0x0;
	s0 =	rddreg [dreg:$0x4]  }
0x2ec: {  	s0 =	sadd.s32 @!p0 $0x100000, s0  }
0x2ed: {  	[sflag:s0] =	ssyncadd.tile.s32 @!p0 $0x1;
	_ =	shalt  }
.Lfunc_end2:
_tile_overlayer_lowered:
.L_overlay_start_2:
0x2ee: {  	(tag) =	ssettag $0x2  }
0x2ef: {  	s0 =	rddreg [dreg:$0x0];
	s2 =	stileid.u32  }
0x2f0: {  	s1 =	rddreg [dreg:$0x1];
	p0 =	sne.s32 s2, $0x0  }
0x2f1: {  	s3 =	rddreg [dreg:$0x2];
	[bflag:$0x3] =	sbarrier.arrive $0xFFFF;
	s2 =	simm.s32 @!p0 $0x1C04  }
0x2f2: {  	[timem:s3], [sflag:s2] =	dma.local @!p0 [hbm:s0], s1  }
0x2f3: {  	s0 =	simm.s32 @!p0 $0x4  }
0x2f4: {  	_ =	swait.ge @!p0 [sflag:s0], s1  }
0x2f5: {  	s1 =	ssub.s32 @!p0 $0x0, s1;
	[sflag:s0] =	ssyncset.done @!p0 $0x0  }
0x2f6: {  	[sflag:s0] =	ssyncadd.s32 @!p0 s1  }
0x2f7: {  	[bflag:$0x3] =	sbarrier.arrive $0xFFFF  }
0x2f8: {  	_ =	shalt  }

</sc_bundles>
